<compile_context>
chip_gen: v7x
topology: tpu7x:2x2x1
jax: 0.10.2.dev20260603
libtpu: 0.0.44.dev20260713+nightly
codegen_flags: <defaults>
</compile_context>

<pallas_src>
import functools

import jax
import jax.numpy as jnp
from jax import lax
from jax.experimental import pallas as pl
from jax.experimental.pallas import tpu as pltpu, tpu_sc as plsc

N_NODES = 10000
N_EDGES = 320000
D_IN = 128
D_OUT = 128

DH = D_IN // 2
NS = 16
N_PAD = 10240
ROWS_PT = N_PAD // NS
EB = 80
EROWS = N_EDGES // EB
EROWS_PT = EROWS // NS
CH = 25
NCH = EROWS_PT // CH
RCH = 16
NRCH = ROWS_PT // RCH
DROWS = N_PAD // 16
FROWS_PT = N_NODES // NS


def _sc_aggregate(feat, src3, dst3):
    mesh = plsc.VectorSubcoreMesh(core_axis_name="c", subcore_axis_name="s")

    @functools.partial(
        pl.kernel,
        out_type=(
            jax.ShapeDtypeStruct((N_PAD, D_IN), jnp.float32),
            jax.ShapeDtypeStruct((DROWS, 16), jnp.float32),
        ),
        mesh=mesh,
        scratch_types=[
            pltpu.VMEM_SHARED((N_PAD, DH), jnp.float32),
            pltpu.VMEM_SHARED((N_PAD, DH), jnp.float32),
            pltpu.VMEM_SHARED((DROWS, 16), jnp.float32),
            pltpu.VMEM((2, CH, EB), jnp.int32),
            pltpu.VMEM((2, CH, EB), jnp.int32),
            pltpu.VMEM((4, EB, DH), jnp.float32),
            pltpu.VMEM((RCH, DH), jnp.float32),
            pltpu.VMEM((N_PAD,), jnp.float32),
            pltpu.VMEM((32, 16), jnp.float32),
            pltpu.VMEM((20, 32), jnp.int32),
        ] + [pltpu.SemaphoreType.DMA] * 6,
        compiler_params=pltpu.CompilerParams(
            use_tc_tiling_on_sc=False, needs_layout_passes=False),
    )
    def k(feat_hbm, src_hbm, dst_hbm, agg_hbm, deg_hbm,
          feat_sp, acc_sp, deg_sp, src_v, dst_v, rows4, zero_v, deg_l,
          deg_l2, idx64, *sems):
        c = lax.axis_index("c")
        s = lax.axis_index("s")
        r0 = s * ROWS_PT
        gsems = sems[:2]
        ssems = sems[2:4]
        isems = sems[4:]

        f0 = s * FROWS_PT
        pltpu.sync_copy(feat_hbm.at[pl.ds(f0, FROWS_PT), pl.ds(c * DH, DH)],
                        feat_sp.at[pl.ds(f0, FROWS_PT)])

        zf = jnp.zeros((16,), jnp.float32)

        def zero_stage(i, _):
            for j in range(DH // 16):
                zero_v[i, pl.ds(16 * j, 16)] = zf
            return 0

        lax.fori_loop(0, RCH, zero_stage, 0)

        def zero_hist(i, _):
            deg_l[pl.ds(16 * i, 16)] = zf
            return 0

        lax.fori_loop(0, DROWS, zero_hist, 0)

        def zero_hist2(i, _):
            deg_l2[i] = zf
            return 0

        lax.fori_loop(0, 32, zero_hist2, 0)

        iot = lax.iota(jnp.int32, 16)

        def fill_iota(q, _):
            for t in range(2):
                idx64[q, pl.ds(16 * t, 16)] = iot + q * 32 + 16 * t
            return 0

        lax.fori_loop(0, 20, fill_iota, 0)

        def zero_copy(kk, _):
            pltpu.sync_copy(zero_v, acc_sp.at[pl.ds(r0 + kk * RCH, RCH)])
            return 0

        lax.fori_loop(0, NRCH, zero_copy, 0)
        pltpu.sync_copy(deg_l2.at[pl.ds(0, DROWS // NS)],
                        deg_sp.at[pl.ds(s * (DROWS // NS), DROWS // NS)])

        plsc.subcore_barrier()

        of = jnp.ones((16,), jnp.float32)

        pltpu.sync_copy(src_hbm.at[s, pl.ds(0, CH)], src_v.at[0])
        pltpu.sync_copy(dst_hbm.at[s, pl.ds(0, CH)], dst_v.at[0])
        pltpu.async_copy(src_hbm.at[s, pl.ds(CH, CH)], src_v.at[1], isems[0])
        pltpu.async_copy(dst_hbm.at[s, pl.ds(CH, CH)], dst_v.at[1], isems[1])

        def idx_at(ref, j):
            return ref.at[lax.rem(lax.div(j, CH), 2), lax.rem(j, CH)]

        pltpu.async_copy(feat_sp.at[idx_at(src_v, 0)], rows4.at[0], gsems[0])
        pltpu.async_copy(feat_sp.at[idx_at(src_v, 1)], rows4.at[1], gsems[1])

        def pair_body(jj, _):
            for p in range(2):
                j = 2 * jj + p
                gs = gsems[p]
                ss = ssems[p]
                b = lax.rem(j, 4)
                bn = lax.rem(j + 2, 4)
                pltpu.make_async_copy(
                    feat_sp.at[idx_at(src_v, j)], rows4.at[b], gs).wait()

                @pl.when(j >= 2)
                def _():
                    pltpu.make_async_copy(
                        rows4.at[bn], acc_sp.at[idx_at(dst_v, j - 2)],
                        ss).wait()

                @pl.when((lax.rem(j + 2, CH) == 0) & (j + 2 < EROWS_PT))
                def _():
                    nsl = lax.rem(lax.div(j + 2, CH), 2)
                    pltpu.make_async_copy(
                        src_hbm.at[s, pl.ds(j + 2, CH)], src_v.at[nsl],
                        isems[0]).wait()
                    pltpu.make_async_copy(
                        dst_hbm.at[s, pl.ds(j + 2, CH)], dst_v.at[nsl],
                        isems[1]).wait()

                @pl.when((lax.rem(j, CH) == 2) & (j - 2 + CH < EROWS_PT)
                         & (j > CH))
                def _():
                    csl = lax.rem(lax.div(j, CH), 2)
                    e2 = j - 2 + CH
                    pltpu.async_copy(
                        src_hbm.at[s, pl.ds(e2, CH)], src_v.at[1 - csl],
                        isems[0])
                    pltpu.async_copy(
                        dst_hbm.at[s, pl.ds(e2, CH)], dst_v.at[1 - csl],
                        isems[1])

                @pl.when(j + 2 < EROWS_PT)
                def _():
                    pltpu.async_copy(
                        feat_sp.at[idx_at(src_v, j + 2)], rows4.at[bn], gs)

                pltpu.async_copy(
                    rows4.at[b], acc_sp.at[idx_at(dst_v, j)], ss, add=True)

                sl = lax.rem(lax.div(j, CH), 2)
                jr = lax.rem(j, CH)
                for t in range(EB // 16):
                    idx = dst_v[sl, jr, pl.ds(16 * t, 16)]
                    plsc.addupdate_scatter(deg_l, [idx], of)
            return 0

        lax.fori_loop(0, EROWS_PT // 2, pair_body, 0)
        for dd in (EROWS_PT - 2, EROWS_PT - 1):
            pltpu.make_async_copy(
                rows4.at[dd % 4], acc_sp.at[idx_at(dst_v, dd)],
                ssems[dd % 2]).wait()

        def merge_body(kk, _):
            def repack(q, _):
                deg_l2[q] = deg_l[pl.ds(512 * kk + 16 * q, 16)]
                return 0

            lax.fori_loop(0, 32, repack, 0)
            pltpu.sync_copy(deg_l2, deg_sp.at[idx64.at[kk]], add=True)
            return 0

        lax.fori_loop(0, 20, merge_body, 0)

        plsc.subcore_barrier()

        pltpu.sync_copy(acc_sp.at[pl.ds(r0, ROWS_PT)],
                        agg_hbm.at[pl.ds(r0, ROWS_PT), pl.ds(c * DH, DH)])

        @pl.when(c == 0)
        def _():
            pltpu.sync_copy(deg_sp.at[pl.ds(s * (DROWS // NS), DROWS // NS)],
                            deg_hbm.at[pl.ds(s * (DROWS // NS), DROWS // NS)])

    return k(feat, src3, dst3)


def _tc1_body(feat_ref, w1_ref, b_ref, o_ref):
    o_ref[...] = jnp.dot(feat_ref[...], w1_ref[...],
                         preferred_element_type=jnp.float32) + b_ref[...]


def _tc2_body(p1_ref, agg_ref, deg_ref, w2_ref, o_ref):
    dinv = 1.0 / jnp.maximum(deg_ref[...], 1.0)
    o_ref[...] = p1_ref[...] + jnp.dot(
        agg_ref[...] * dinv, w2_ref[...], preferred_element_type=jnp.float32)


RB = 1000


def _tc_linear1(feat, w1t, b2d):
    grid = (N_NODES // RB,)
    return pl.pallas_call(
        _tc1_body,
        grid=grid,
        in_specs=[
            pl.BlockSpec((RB, D_IN), lambda i: (i, 0)),
            pl.BlockSpec((D_IN, D_OUT), lambda i: (0, 0)),
            pl.BlockSpec((1, D_OUT), lambda i: (0, 0)),
        ],
        out_specs=pl.BlockSpec((RB, D_OUT), lambda i: (i, 0)),
        out_shape=jax.ShapeDtypeStruct((N_NODES, D_OUT), jnp.float32),
    )(feat, w1t, b2d)


def _tc_linear2(p1, agg, deg, w2t):
    grid = (N_NODES // RB,)
    return pl.pallas_call(
        _tc2_body,
        grid=grid,
        in_specs=[
            pl.BlockSpec((RB, D_OUT), lambda i: (i, 0)),
            pl.BlockSpec((RB, D_IN), lambda i: (i, 0)),
            pl.BlockSpec((RB, 1), lambda i: (i, 0)),
            pl.BlockSpec((D_IN, D_OUT), lambda i: (0, 0)),
        ],
        out_specs=pl.BlockSpec((RB, D_OUT), lambda i: (i, 0)),
        out_shape=jax.ShapeDtypeStruct((N_NODES, D_OUT), jnp.float32),
    )(p1, agg, deg, w2t)


def kernel(feat, edge_index, W, b):
    src3 = edge_index[0].astype(jnp.int32).reshape(NS, EROWS_PT, EB)
    dst3 = edge_index[1].astype(jnp.int32).reshape(NS, EROWS_PT, EB)
    agg, deg = _sc_aggregate(feat, src3, dst3)
    p1 = _tc_linear1(feat, W[:, :D_IN].T, b.reshape(1, D_OUT))
    deg2d = deg.reshape(N_PAD, 1)[:N_NODES]
    return _tc_linear2(p1, agg, deg2d, W[:, D_IN:].T)

# --- scband reference (transcript-rebuilt; emitter-appended) ---
"""Pipeline reference for scband-cu-graph-sageconv-58342835749307 (READ-ONLY COPY).

The authoritative reference and input builder live on the scoring server;
editing this copy changes nothing except your own understanding.
"""

import jax, jax.numpy as jnp
import numpy as np

N_NODES = 10000
N_EDGES = 320000
D_IN = 128
D_OUT = 128


def setup_inputs(seed: int = 0) -> dict:
    key = jax.random.key(seed)
    k1, k2, k3, k4 = jax.random.split(key, 4)
    feat = jax.random.normal(k1, (N_NODES, D_IN), dtype=jnp.float32)
    edge_index = jax.random.randint(k2, (2, N_EDGES), 0, N_NODES, dtype=jnp.int64)
    # nn.Linear(2*in_feats, out_feats): W shape [out, 2*in], bias [out]
    W = jax.random.normal(k3, (D_OUT, 2 * D_IN), dtype=jnp.float32) * (1.0 / np.sqrt(2 * D_IN))
    b = jax.random.normal(k4, (D_OUT,), dtype=jnp.float32) * 0.01
    return {"feat": feat, "edge_index": edge_index, "W": W, "b": b}


def reference(feat, edge_index, W, b):
    # feat_drop with p=0.0 is identity.
    src = edge_index[0]
    dst = edge_index[1]
    # Gather source-node features along edges.
    msgs = jnp.take(feat, src, axis=0)  # [E, D_IN]
    # Mean aggregation over incoming edges per destination node.
    agg_sum = jax.ops.segment_sum(msgs, dst, num_segments=N_NODES)  # [N, D_IN]
    deg = jax.ops.segment_sum(jnp.ones((N_EDGES,), dtype=feat.dtype), dst, num_segments=N_NODES)
    agg = agg_sum / jnp.maximum(deg, 1.0)[:, None]
    # SAGEConvAgg concatenates self features with aggregated neighbor features.
    h = jnp.concatenate([feat, agg], axis=1)  # [N, 2*D_IN]
    out = h @ W.T + b
    return out

if __name__ == "__main__":
    import jax
    _d = setup_inputs()
    print(jax.jit(kernel)(*tuple(_d.values())))

</pallas_src>

<mosaic_0001>
#map = affine_map<(d0, d1) -> (0, 0)>
#map1 = affine_map<(d0, d1) -> (0, 0, 0)>
module attributes {stable_mosaic.version = 14 : i64} {
  func.func @k(%arg0: i32, %arg1: i32, %arg2: memref<10000x128xf32, #tpu.memory_space<hbm>>, %arg3: memref<16x250x80xi32, #tpu.memory_space<hbm>>, %arg4: memref<16x250x80xi32, #tpu.memory_space<hbm>>, %arg5: memref<10240x128xf32, #tpu.memory_space<hbm>>, %arg6: memref<640x16xf32, #tpu.memory_space<hbm>>, %arg7: memref<10240x64xf32, #tpu.memory_space<vmem_shared>>, %arg8: memref<10240x64xf32, #tpu.memory_space<vmem_shared>>, %arg9: memref<640x16xf32, #tpu.memory_space<vmem_shared>>, %arg10: memref<2x25x80xi32, #tpu.memory_space<vmem>>, %arg11: memref<2x25x80xi32, #tpu.memory_space<vmem>>, %arg12: memref<4x80x64xf32, #tpu.memory_space<vmem>>, %arg13: memref<16x64xf32, #tpu.memory_space<vmem>>, %arg14: memref<10240xf32, #tpu.memory_space<vmem>>, %arg15: memref<32x16xf32, #tpu.memory_space<vmem>>, %arg16: memref<20x32xi32, #tpu.memory_space<vmem>>, %arg17: memref<!tpu.dma_semaphore, #tpu.memory_space<semaphore_mem>>, %arg18: memref<!tpu.dma_semaphore, #tpu.memory_space<semaphore_mem>>, %arg19: memref<!tpu.dma_semaphore, #tpu.memory_space<semaphore_mem>>, %arg20: memref<!tpu.dma_semaphore, #tpu.memory_space<semaphore_mem>>, %arg21: memref<!tpu.dma_semaphore, #tpu.memory_space<semaphore_mem>>, %arg22: memref<!tpu.dma_semaphore, #tpu.memory_space<semaphore_mem>>) attributes {dimension_semantics = [#tpu.dimension_semantics<core_parallel>, #tpu.dimension_semantics<subcore_parallel>], iteration_bounds = array<i64: 2, 16>, scalar_prefetch = 0 : i64, scratch_operands = 16 : i64, tpu.core_type = #tpu.core_type<sc_vector_subcore>, window_params = [{transform_indices = #map}, {transform_indices = #map1}, {transform_indices = #map1}, {transform_indices = #map}, {transform_indices = #map}]} {
    %mul3A = arith.constant 640 : i32
    %mul3A_0 = arith.muli %arg1, %mul3A : i32
    %mul3A_1 = arith.constant 625 : i32
    %mul3A_2 = arith.muli %arg1, %mul3A_1 : i32
    %mul3A_3 = arith.constant 64 : i32
    %mul3A_4 = arith.muli %arg0, %mul3A_3 : i32
    "tpu.region"() ({
      %run_scoped3A_170 = tpu.sem_alloc : memref<!tpu.dma_semaphore, #tpu.memory_space<semaphore_mem>>
      %dma_start3A_171 = arith.constant 0 : i32
      %dma_start3A_172 = tpu.memref_slice %arg7[%mul3A_2, %dma_start3A_171] : memref<10240x64xf32, #tpu.memory_space<vmem_shared>> -> memref<625x64xf32, #tpu.memory_space<vmem_shared>>
      %dma_start3A_173 = tpu.memref_slice %arg2[%mul3A_2, %mul3A_4] : memref<10000x128xf32, #tpu.memory_space<hbm>> -> memref<625x64xf32, #tpu.memory_space<hbm>>
      tpu.enqueue_dma source(%dma_start3A_173 : memref<625x64xf32, #tpu.memory_space<hbm>>) target(%dma_start3A_172 : memref<625x64xf32, #tpu.memory_space<vmem_shared>>) target_semaphore(%run_scoped3A_170 : memref<!tpu.dma_semaphore, #tpu.memory_space<semaphore_mem>>)
      %dma_wait3A_174 = arith.constant 0 : i32
      %dma_wait3A_175 = tpu.memref_slice %arg7[%mul3A_2, %dma_wait3A_174] : memref<10240x64xf32, #tpu.memory_space<vmem_shared>> -> memref<625x64xf32, #tpu.memory_space<vmem_shared>>
      %dma_wait3A_176 = tpu.memref_slice %arg2[%mul3A_2, %mul3A_4] : memref<10000x128xf32, #tpu.memory_space<hbm>> -> memref<625x64xf32, #tpu.memory_space<hbm>>
      tpu.wait_dma2 semaphore(%run_scoped3A_170 : memref<!tpu.dma_semaphore, #tpu.memory_space<semaphore_mem>>) src(%dma_wait3A_176 : memref<625x64xf32, #tpu.memory_space<hbm>>) dst(%dma_wait3A_175 : memref<625x64xf32, #tpu.memory_space<vmem_shared>>)
      tpu.yield
    }) : () -> ()
    %broadcast_in_dim3A = arith.constant 0.000000e+00 : f32
    %broadcast_in_dim3A_5 = vector.broadcast %broadcast_in_dim3A : f32 to vector<16xf32>
    %scan3A = arith.constant 0 : i32
    %scan3A_6 = arith.constant 0 : i32
    %scan3A_7 = arith.constant 16 : i32
    %scan3A_8 = arith.addi %scan3A_6, %scan3A_7 : i32
    %scan3A_9 = arith.constant 1 : i32
    %scan3A_10 = scf.for %scan3A_170 = %scan3A_6 to %scan3A_8 step %scan3A_9 iter_args(%scan3A_171 = %scan3A) -> (i32)  : i32 {
      %swap3A = arith.index_cast %scan3A_170 : i32 to index
      %swap3A_172 = arith.constant 0 : index
      %swap3A_173 = tpu.vector_load %arg13[%swap3A, %swap3A_172] {strides = array<i32>} : memref<16x64xf32, #tpu.memory_space<vmem>>, vector<16xf32>,
      tpu.vector_store %arg13[%swap3A, %swap3A_172], %broadcast_in_dim3A_5 {strides = array<i32>} : memref<16x64xf32, #tpu.memory_space<vmem>>, vector<16xf32>,
      %swap3A_174 = arith.index_cast %scan3A_170 : i32 to index
      %swap3A_175 = arith.constant 16 : index
      %swap3A_176 = tpu.vector_load %arg13[%swap3A_174, %swap3A_175] {strides = array<i32>} : memref<16x64xf32, #tpu.memory_space<vmem>>, vector<16xf32>,
      tpu.vector_store %arg13[%swap3A_174, %swap3A_175], %broadcast_in_dim3A_5 {strides = array<i32>} : memref<16x64xf32, #tpu.memory_space<vmem>>, vector<16xf32>,
      %swap3A_177 = arith.index_cast %scan3A_170 : i32 to index
      %swap3A_178 = arith.constant 32 : index
      %swap3A_179 = tpu.vector_load %arg13[%swap3A_177, %swap3A_178] {strides = array<i32>} : memref<16x64xf32, #tpu.memory_space<vmem>>, vector<16xf32>,
      tpu.vector_store %arg13[%swap3A_177, %swap3A_178], %broadcast_in_dim3A_5 {strides = array<i32>} : memref<16x64xf32, #tpu.memory_space<vmem>>, vector<16xf32>,
      %swap3A_180 = arith.index_cast %scan3A_170 : i32 to index
      %swap3A_181 = arith.constant 48 : index
      %swap3A_182 = tpu.vector_load %arg13[%swap3A_180, %swap3A_181] {strides = array<i32>} : memref<16x64xf32, #tpu.memory_space<vmem>>, vector<16xf32>,
      tpu.vector_store %arg13[%swap3A_180, %swap3A_181], %broadcast_in_dim3A_5 {strides = array<i32>} : memref<16x64xf32, #tpu.memory_space<vmem>>, vector<16xf32>,
      %scan3A_183 = arith.constant 0 : i32
      scf.yield %scan3A_183 : i32
    }
    %scan3A_11 = arith.constant 16 : i32
    %scan3A_12 = arith.constant 0 : i32
    %scan3A_13 = arith.constant 0 : i32
    %scan3A_14 = arith.constant 640 : i32
    %scan3A_15 = arith.addi %scan3A_13, %scan3A_14 : i32
    %scan3A_16 = arith.constant 1 : i32
    %scan3A_17 = scf.for %scan3A_170 = %scan3A_13 to %scan3A_15 step %scan3A_16 iter_args(%scan3A_171 = %scan3A_12) -> (i32)  : i32 {
      %mul3A_172 = arith.constant 16 : i32
      %mul3A_173 = arith.muli %mul3A_172, %scan3A_170 : i32
      %swap3A = arith.index_cast %mul3A_173 : i32 to index
      %swap3A_174 = tpu.vector_load %arg14[%swap3A] {strides = array<i32>} : memref<10240xf32, #tpu.memory_space<vmem>>, vector<16xf32>,
      tpu.vector_store %arg14[%swap3A], %broadcast_in_dim3A_5 {strides = array<i32>} : memref<10240xf32, #tpu.memory_space<vmem>>, vector<16xf32>,
      %scan3A_175 = arith.constant 0 : i32
      scf.yield %scan3A_175 : i32
    }
    %scan3A_18 = arith.constant 640 : i32
    %scan3A_19 = arith.constant 0 : i32
    %scan3A_20 = arith.constant 0 : i32
    %scan3A_21 = arith.constant 32 : i32
    %scan3A_22 = arith.addi %scan3A_20, %scan3A_21 : i32
    %scan3A_23 = arith.constant 1 : i32
    %scan3A_24 = scf.for %scan3A_170 = %scan3A_20 to %scan3A_22 step %scan3A_23 iter_args(%scan3A_171 = %scan3A_19) -> (i32)  : i32 {
      %swap3A = arith.index_cast %scan3A_170 : i32 to index
      %swap3A_172 = arith.constant 0 : index
      %swap3A_173 = tpu.vector_load %arg15[%swap3A, %swap3A_172] {strides = array<i32>} : memref<32x16xf32, #tpu.memory_space<vmem>>, vector<16xf32>,
      tpu.vector_store %arg15[%swap3A, %swap3A_172], %broadcast_in_dim3A_5 {strides = array<i32>} : memref<32x16xf32, #tpu.memory_space<vmem>>, vector<16xf32>,
      %scan3A_174 = arith.constant 0 : i32
      scf.yield %scan3A_174 : i32
    }
    %scan3A_25 = arith.constant 32 : i32
    %iota3A = tpu.iota {dimensions = array<i32: 0>} : vector<16xi32>
    %scan3A_26 = arith.constant 0 : i32
    %scan3A_27 = arith.constant 0 : i32
    %scan3A_28 = arith.constant 20 : i32
    %scan3A_29 = arith.addi %scan3A_27, %scan3A_28 : i32
    %scan3A_30 = arith.constant 1 : i32
    %scan3A_31 = scf.for %scan3A_170 = %scan3A_27 to %scan3A_29 step %scan3A_30 iter_args(%scan3A_171 = %scan3A_26) -> (i32)  : i32 {
      %mul3A_172 = arith.constant 32 : i32
      %mul3A_173 = arith.muli %scan3A_170, %mul3A_172 : i32
      %add3A = vector.broadcast %mul3A_173 : i32 to vector<16xi32>
      %add3A_174 = arith.addi %iota3A, %add3A : vector<16xi32>
      %add3A_175 = arith.constant 0 : i32
      %add3A_176 = vector.broadcast %add3A_175 : i32 to vector<16xi32>
      %add3A_177 = arith.addi %add3A_174, %add3A_176 : vector<16xi32>
      %swap3A = arith.index_cast %scan3A_170 : i32 to index
      %swap3A_178 = arith.constant 0 : index
      %swap3A_179 = tpu.vector_load %arg16[%swap3A, %swap3A_178] {strides = array<i32>} : memref<20x32xi32, #tpu.memory_space<vmem>>, vector<16xi32>,
      tpu.vector_store %arg16[%swap3A, %swap3A_178], %add3A_177 {strides = array<i32>} : memref<20x32xi32, #tpu.memory_space<vmem>>, vector<16xi32>,
      %mul3A_180 = arith.constant 32 : i32
      %mul3A_181 = arith.muli %scan3A_170, %mul3A_180 : i32
      %add3A_182 = vector.broadcast %mul3A_181 : i32 to vector<16xi32>
      %add3A_183 = arith.addi %iota3A, %add3A_182 : vector<16xi32>
      %add3A_184 = arith.constant 16 : i32
      %add3A_185 = vector.broadcast %add3A_184 : i32 to vector<16xi32>
      %add3A_186 = arith.addi %add3A_183, %add3A_185 : vector<16xi32>
      %swap3A_187 = arith.index_cast %scan3A_170 : i32 to index
      %swap3A_188 = arith.constant 16 : index
      %swap3A_189 = tpu.vector_load %arg16[%swap3A_187, %swap3A_188] {strides = array<i32>} : memref<20x32xi32, #tpu.memory_space<vmem>>, vector<16xi32>,
      tpu.vector_store %arg16[%swap3A_187, %swap3A_188], %add3A_186 {strides = array<i32>} : memref<20x32xi32, #tpu.memory_space<vmem>>, vector<16xi32>,
      %scan3A_190 = arith.constant 0 : i32
      scf.yield %scan3A_190 : i32
    }
    %scan3A_32 = arith.constant 20 : i32
    %scan3A_33 = arith.constant 0 : i32
    %scan3A_34 = arith.constant 0 : i32
    %scan3A_35 = arith.constant 40 : i32
    %scan3A_36 = arith.addi %scan3A_34, %scan3A_35 : i32
    %scan3A_37 = arith.constant 1 : i32
    %scan3A_38 = scf.for %scan3A_170 = %scan3A_34 to %scan3A_36 step %scan3A_37 iter_args(%scan3A_171 = %scan3A_33) -> (i32)  : i32 {
      %mul3A_172 = arith.constant 16 : i32
      %mul3A_173 = arith.muli %scan3A_170, %mul3A_172 : i32
      %add3A = arith.addi %mul3A_0, %mul3A_173 : i32
      "tpu.region"() ({
        %run_scoped3A_175 = tpu.sem_alloc : memref<!tpu.dma_semaphore, #tpu.memory_space<semaphore_mem>>
        %dma_start3A_176 = arith.constant 0 : i32
        %dma_start3A_177 = tpu.memref_slice %arg8[%add3A, %dma_start3A_176] : memref<10240x64xf32, #tpu.memory_space<vmem_shared>> -> memref<16x64xf32, #tpu.memory_space<vmem_shared>>
        %dma_start3A_178 = arith.constant 0 : i32
        %dma_start3A_179 = tpu.memref_slice %arg8[%add3A, %dma_start3A_178] : memref<10240x64xf32, #tpu.memory_space<vmem_shared>> -> memref<16x64xf32, #tpu.memory_space<vmem_shared>>
        tpu.enqueue_dma source(%arg13 : memref<16x64xf32, #tpu.memory_space<vmem>>) target(%dma_start3A_179 : memref<16x64xf32, #tpu.memory_space<vmem_shared>>) target_semaphore(%run_scoped3A_175 : memref<!tpu.dma_semaphore, #tpu.memory_space<semaphore_mem>>)
        %dma_wait3A_180 = arith.constant 0 : i32
        %dma_wait3A_181 = tpu.memref_slice %arg8[%add3A, %dma_wait3A_180] : memref<10240x64xf32, #tpu.memory_space<vmem_shared>> -> memref<16x64xf32, #tpu.memory_space<vmem_shared>>
        %dma_wait3A_182 = arith.constant 0 : i32
        %dma_wait3A_183 = tpu.memref_slice %arg8[%add3A, %dma_wait3A_182] : memref<10240x64xf32, #tpu.memory_space<vmem_shared>> -> memref<16x64xf32, #tpu.memory_space<vmem_shared>>
        tpu.wait_dma2 semaphore(%run_scoped3A_175 : memref<!tpu.dma_semaphore, #tpu.memory_space<semaphore_mem>>) src(%arg13 : memref<16x64xf32, #tpu.memory_space<vmem>>) dst(%dma_wait3A_183 : memref<16x64xf32, #tpu.memory_space<vmem_shared>>)
        tpu.yield
      }) : () -> ()
      %scan3A_174 = arith.constant 0 : i32
      scf.yield %scan3A_174 : i32
    }
    %scan3A_39 = arith.constant 40 : i32
    %mul3A_40 = arith.constant 40 : i32
    %mul3A_41 = arith.muli %arg1, %mul3A_40 : i32
    "tpu.region"() ({
      %run_scoped3A_170 = tpu.sem_alloc : memref<!tpu.dma_semaphore, #tpu.memory_space<semaphore_mem>>
      %dma_start3A_171 = arith.constant 0 : i32
      %dma_start3A_172 = arith.constant 0 : i32
      %dma_start3A_173 = tpu.memref_slice %arg15[%dma_start3A_171, %dma_start3A_172] : memref<32x16xf32, #tpu.memory_space<vmem>> -> memref<40x16xf32, #tpu.memory_space<vmem>>
      %dma_start3A_174 = arith.constant 0 : i32
      %dma_start3A_175 = tpu.memref_slice %arg9[%mul3A_41, %dma_start3A_174] : memref<640x16xf32, #tpu.memory_space<vmem_shared>> -> memref<40x16xf32, #tpu.memory_space<vmem_shared>>
      %dma_start3A_176 = arith.constant 0 : i32
      %dma_start3A_177 = tpu.memref_slice %arg9[%mul3A_41, %dma_start3A_176] : memref<640x16xf32, #tpu.memory_space<vmem_shared>> -> memref<40x16xf32, #tpu.memory_space<vmem_shared>>
      %dma_start3A_178 = arith.constant 0 : i32
      %dma_start3A_179 = arith.constant 0 : i32
      %dma_start3A_180 = tpu.memref_slice %arg15[%dma_start3A_178, %dma_start3A_179] : memref<32x16xf32, #tpu.memory_space<vmem>> -> memref<40x16xf32, #tpu.memory_space<vmem>>
      tpu.enqueue_dma source(%dma_start3A_180 : memref<40x16xf32, #tpu.memory_space<vmem>>) target(%dma_start3A_177 : memref<40x16xf32, #tpu.memory_space<vmem_shared>>) target_semaphore(%run_scoped3A_170 : memref<!tpu.dma_semaphore, #tpu.memory_space<semaphore_mem>>)
      %dma_wait3A_181 = arith.constant 0 : i32
      %dma_wait3A_182 = arith.constant 0 : i32
      %dma_wait3A_183 = tpu.memref_slice %arg15[%dma_wait3A_181, %dma_wait3A_182] : memref<32x16xf32, #tpu.memory_space<vmem>> -> memref<40x16xf32, #tpu.memory_space<vmem>>
      %dma_wait3A_184 = arith.constant 0 : i32
      %dma_wait3A_185 = tpu.memref_slice %arg9[%mul3A_41, %dma_wait3A_184] : memref<640x16xf32, #tpu.memory_space<vmem_shared>> -> memref<40x16xf32, #tpu.memory_space<vmem_shared>>
      %dma_wait3A_186 = arith.constant 0 : i32
      %dma_wait3A_187 = tpu.memref_slice %arg9[%mul3A_41, %dma_wait3A_186] : memref<640x16xf32, #tpu.memory_space<vmem_shared>> -> memref<40x16xf32, #tpu.memory_space<vmem_shared>>
      %dma_wait3A_188 = arith.constant 0 : i32
      %dma_wait3A_189 = arith.constant 0 : i32
      %dma_wait3A_190 = tpu.memref_slice %arg15[%dma_wait3A_188, %dma_wait3A_189] : memref<32x16xf32, #tpu.memory_space<vmem>> -> memref<40x16xf32, #tpu.memory_space<vmem>>
      tpu.wait_dma2 semaphore(%run_scoped3A_170 : memref<!tpu.dma_semaphore, #tpu.memory_space<semaphore_mem>>) src(%dma_wait3A_190 : memref<40x16xf32, #tpu.memory_space<vmem>>) dst(%dma_wait3A_187 : memref<40x16xf32, #tpu.memory_space<vmem_shared>>)
      tpu.yield
    }) : () -> ()
    %barrier3A = arith.constant 0 : index
    tpu.barrier barrier_id(%barrier3A)
    %broadcast_in_dim3A_42 = arith.constant 1.000000e+00 : f32
    %broadcast_in_dim3A_43 = vector.broadcast %broadcast_in_dim3A_42 : f32 to vector<16xf32>
    %run_scoped3A = arith.constant 0 : i32
    "tpu.region"() ({
      %run_scoped3A_170 = tpu.sem_alloc : memref<!tpu.dma_semaphore, #tpu.memory_space<semaphore_mem>>
      %dma_start3A_171 = arith.constant 0 : i32
      %dma_start3A_172 = arith.constant 0 : i32
      %dma_start3A_173 = tpu.memref_slice %arg10[%run_scoped3A, %dma_start3A_171, %dma_start3A_172] : memref<2x25x80xi32, #tpu.memory_space<vmem>> -> memref<1x25x80xi32, #tpu.memory_space<vmem>>
      %dma_start3A_174 = tpu.memref_squeeze %dma_start3A_173 : memref<1x25x80xi32, #tpu.memory_space<vmem>> -> memref<25x80xi32, #tpu.memory_space<vmem>>
      %dma_start3A_175 = arith.constant 0 : i32
      %dma_start3A_176 = arith.constant 0 : i32
      %dma_start3A_177 = tpu.memref_slice %arg3[%arg1, %dma_start3A_175, %dma_start3A_176] : memref<16x250x80xi32, #tpu.memory_space<hbm>> -> memref<1x25x80xi32, #tpu.memory_space<hbm>>
      %dma_start3A_178 = tpu.memref_squeeze %dma_start3A_177 : memref<1x25x80xi32, #tpu.memory_space<hbm>> -> memref<25x80xi32, #tpu.memory_space<hbm>>
      %dma_start3A_179 = arith.constant 0 : i32
      %dma_start3A_180 = arith.constant 0 : i32
      %dma_start3A_181 = tpu.memref_slice %arg10[%run_scoped3A, %dma_start3A_179, %dma_start3A_180] : memref<2x25x80xi32, #tpu.memory_space<vmem>> -> memref<1x25x80xi32, #tpu.memory_space<vmem>>
      %dma_start3A_182 = tpu.memref_squeeze %dma_start3A_181 : memref<1x25x80xi32, #tpu.memory_space<vmem>> -> memref<25x80xi32, #tpu.memory_space<vmem>>
      %dma_start3A_183 = arith.constant 0 : i32
      %dma_start3A_184 = arith.constant 0 : i32
      %dma_start3A_185 = tpu.memref_slice %arg3[%arg1, %dma_start3A_183, %dma_start3A_184] : memref<16x250x80xi32, #tpu.memory_space<hbm>> -> memref<1x25x80xi32, #tpu.memory_space<hbm>>
      %dma_start3A_186 = tpu.memref_squeeze %dma_start3A_185 : memref<1x25x80xi32, #tpu.memory_space<hbm>> -> memref<25x80xi32, #tpu.memory_space<hbm>>
      tpu.enqueue_dma source(%dma_start3A_186 : memref<25x80xi32, #tpu.memory_space<hbm>>) target(%dma_start3A_182 : memref<25x80xi32, #tpu.memory_space<vmem>>) target_semaphore(%run_scoped3A_170 : memref<!tpu.dma_semaphore, #tpu.memory_space<semaphore_mem>>)
      %dma_wait3A_187 = arith.constant 0 : i32
      %dma_wait3A_188 = arith.constant 0 : i32
      %dma_wait3A_189 = tpu.memref_slice %arg10[%run_scoped3A, %dma_wait3A_187, %dma_wait3A_188] : memref<2x25x80xi32, #tpu.memory_space<vmem>> -> memref<1x25x80xi32, #tpu.memory_space<vmem>>
      %dma_wait3A_190 = tpu.memref_squeeze %dma_wait3A_189 : memref<1x25x80xi32, #tpu.memory_space<vmem>> -> memref<25x80xi32, #tpu.memory_space<vmem>>
      %dma_wait3A_191 = arith.constant 0 : i32
      %dma_wait3A_192 = arith.constant 0 : i32
      %dma_wait3A_193 = tpu.memref_slice %arg3[%arg1, %dma_wait3A_191, %dma_wait3A_192] : memref<16x250x80xi32, #tpu.memory_space<hbm>> -> memref<1x25x80xi32, #tpu.memory_space<hbm>>
      %dma_wait3A_194 = tpu.memref_squeeze %dma_wait3A_193 : memref<1x25x80xi32, #tpu.memory_space<hbm>> -> memref<25x80xi32, #tpu.memory_space<hbm>>
      %dma_wait3A_195 = arith.constant 0 : i32
      %dma_wait3A_196 = arith.constant 0 : i32
      %dma_wait3A_197 = tpu.memref_slice %arg10[%run_scoped3A, %dma_wait3A_195, %dma_wait3A_196] : memref<2x25x80xi32, #tpu.memory_space<vmem>> -> memref<1x25x80xi32, #tpu.memory_space<vmem>>
      %dma_wait3A_198 = tpu.memref_squeeze %dma_wait3A_197 : memref<1x25x80xi32, #tpu.memory_space<vmem>> -> memref<25x80xi32, #tpu.memory_space<vmem>>
      %dma_wait3A_199 = arith.constant 0 : i32
      %dma_wait3A_200 = arith.constant 0 : i32
      %dma_wait3A_201 = tpu.memref_slice %arg3[%arg1, %dma_wait3A_199, %dma_wait3A_200] : memref<16x250x80xi32, #tpu.memory_space<hbm>> -> memref<1x25x80xi32, #tpu.memory_space<hbm>>
      %dma_wait3A_202 = tpu.memref_squeeze %dma_wait3A_201 : memref<1x25x80xi32, #tpu.memory_space<hbm>> -> memref<25x80xi32, #tpu.memory_space<hbm>>
      tpu.wait_dma2 semaphore(%run_scoped3A_170 : memref<!tpu.dma_semaphore, #tpu.memory_space<semaphore_mem>>) src(%dma_wait3A_202 : memref<25x80xi32, #tpu.memory_space<hbm>>) dst(%dma_wait3A_198 : memref<25x80xi32, #tpu.memory_space<vmem>>)
      tpu.yield
    }) : () -> ()
    %run_scoped3A_44 = arith.constant 0 : i32
    "tpu.region"() ({
      %run_scoped3A_170 = tpu.sem_alloc : memref<!tpu.dma_semaphore, #tpu.memory_space<semaphore_mem>>
      %dma_start3A_171 = arith.constant 0 : i32
      %dma_start3A_172 = arith.constant 0 : i32
      %dma_start3A_173 = tpu.memref_slice %arg11[%run_scoped3A_44, %dma_start3A_171, %dma_start3A_172] : memref<2x25x80xi32, #tpu.memory_space<vmem>> -> memref<1x25x80xi32, #tpu.memory_space<vmem>>
      %dma_start3A_174 = tpu.memref_squeeze %dma_start3A_173 : memref<1x25x80xi32, #tpu.memory_space<vmem>> -> memref<25x80xi32, #tpu.memory_space<vmem>>
      %dma_start3A_175 = arith.constant 0 : i32
      %dma_start3A_176 = arith.constant 0 : i32
      %dma_start3A_177 = tpu.memref_slice %arg4[%arg1, %dma_start3A_175, %dma_start3A_176] : memref<16x250x80xi32, #tpu.memory_space<hbm>> -> memref<1x25x80xi32, #tpu.memory_space<hbm>>
      %dma_start3A_178 = tpu.memref_squeeze %dma_start3A_177 : memref<1x25x80xi32, #tpu.memory_space<hbm>> -> memref<25x80xi32, #tpu.memory_space<hbm>>
      %dma_start3A_179 = arith.constant 0 : i32
      %dma_start3A_180 = arith.constant 0 : i32
      %dma_start3A_181 = tpu.memref_slice %arg11[%run_scoped3A_44, %dma_start3A_179, %dma_start3A_180] : memref<2x25x80xi32, #tpu.memory_space<vmem>> -> memref<1x25x80xi32, #tpu.memory_space<vmem>>
      %dma_start3A_182 = tpu.memref_squeeze %dma_start3A_181 : memref<1x25x80xi32, #tpu.memory_space<vmem>> -> memref<25x80xi32, #tpu.memory_space<vmem>>
      %dma_start3A_183 = arith.constant 0 : i32
      %dma_start3A_184 = arith.constant 0 : i32
      %dma_start3A_185 = tpu.memref_slice %arg4[%arg1, %dma_start3A_183, %dma_start3A_184] : memref<16x250x80xi32, #tpu.memory_space<hbm>> -> memref<1x25x80xi32, #tpu.memory_space<hbm>>
      %dma_start3A_186 = tpu.memref_squeeze %dma_start3A_185 : memref<1x25x80xi32, #tpu.memory_space<hbm>> -> memref<25x80xi32, #tpu.memory_space<hbm>>
      tpu.enqueue_dma source(%dma_start3A_186 : memref<25x80xi32, #tpu.memory_space<hbm>>) target(%dma_start3A_182 : memref<25x80xi32, #tpu.memory_space<vmem>>) target_semaphore(%run_scoped3A_170 : memref<!tpu.dma_semaphore, #tpu.memory_space<semaphore_mem>>)
      %dma_wait3A_187 = arith.constant 0 : i32
      %dma_wait3A_188 = arith.constant 0 : i32
      %dma_wait3A_189 = tpu.memref_slice %arg11[%run_scoped3A_44, %dma_wait3A_187, %dma_wait3A_188] : memref<2x25x80xi32, #tpu.memory_space<vmem>> -> memref<1x25x80xi32, #tpu.memory_space<vmem>>
      %dma_wait3A_190 = tpu.memref_squeeze %dma_wait3A_189 : memref<1x25x80xi32, #tpu.memory_space<vmem>> -> memref<25x80xi32, #tpu.memory_space<vmem>>
      %dma_wait3A_191 = arith.constant 0 : i32
      %dma_wait3A_192 = arith.constant 0 : i32
      %dma_wait3A_193 = tpu.memref_slice %arg4[%arg1, %dma_wait3A_191, %dma_wait3A_192] : memref<16x250x80xi32, #tpu.memory_space<hbm>> -> memref<1x25x80xi32, #tpu.memory_space<hbm>>
      %dma_wait3A_194 = tpu.memref_squeeze %dma_wait3A_193 : memref<1x25x80xi32, #tpu.memory_space<hbm>> -> memref<25x80xi32, #tpu.memory_space<hbm>>
      %dma_wait3A_195 = arith.constant 0 : i32
      %dma_wait3A_196 = arith.constant 0 : i32
      %dma_wait3A_197 = tpu.memref_slice %arg11[%run_scoped3A_44, %dma_wait3A_195, %dma_wait3A_196] : memref<2x25x80xi32, #tpu.memory_space<vmem>> -> memref<1x25x80xi32, #tpu.memory_space<vmem>>
      %dma_wait3A_198 = tpu.memref_squeeze %dma_wait3A_197 : memref<1x25x80xi32, #tpu.memory_space<vmem>> -> memref<25x80xi32, #tpu.memory_space<vmem>>
      %dma_wait3A_199 = arith.constant 0 : i32
      %dma_wait3A_200 = arith.constant 0 : i32
      %dma_wait3A_201 = tpu.memref_slice %arg4[%arg1, %dma_wait3A_199, %dma_wait3A_200] : memref<16x250x80xi32, #tpu.memory_space<hbm>> -> memref<1x25x80xi32, #tpu.memory_space<hbm>>
      %dma_wait3A_202 = tpu.memref_squeeze %dma_wait3A_201 : memref<1x25x80xi32, #tpu.memory_space<hbm>> -> memref<25x80xi32, #tpu.memory_space<hbm>>
      tpu.wait_dma2 semaphore(%run_scoped3A_170 : memref<!tpu.dma_semaphore, #tpu.memory_space<semaphore_mem>>) src(%dma_wait3A_202 : memref<25x80xi32, #tpu.memory_space<hbm>>) dst(%dma_wait3A_198 : memref<25x80xi32, #tpu.memory_space<vmem>>)
      tpu.yield
    }) : () -> ()
    %dma_start3A = arith.constant 1 : i32
    %dma_start3A_45 = arith.constant 0 : i32
    %dma_start3A_46 = arith.constant 0 : i32
    %dma_start3A_47 = tpu.memref_slice %arg10[%dma_start3A, %dma_start3A_45, %dma_start3A_46] : memref<2x25x80xi32, #tpu.memory_space<vmem>> -> memref<1x25x80xi32, #tpu.memory_space<vmem>>
    %dma_start3A_48 = tpu.memref_squeeze %dma_start3A_47 : memref<1x25x80xi32, #tpu.memory_space<vmem>> -> memref<25x80xi32, #tpu.memory_space<vmem>>
    %dma_start3A_49 = arith.constant 25 : i32
    %dma_start3A_50 = arith.constant 0 : i32
    %dma_start3A_51 = tpu.memref_slice %arg3[%arg1, %dma_start3A_49, %dma_start3A_50] : memref<16x250x80xi32, #tpu.memory_space<hbm>> -> memref<1x25x80xi32, #tpu.memory_space<hbm>>
    %dma_start3A_52 = tpu.memref_squeeze %dma_start3A_51 : memref<1x25x80xi32, #tpu.memory_space<hbm>> -> memref<25x80xi32, #tpu.memory_space<hbm>>
    %dma_start3A_53 = arith.constant 0 : i32
    %dma_start3A_54 = arith.constant 0 : i32
    %dma_start3A_55 = tpu.memref_slice %arg10[%dma_start3A, %dma_start3A_53, %dma_start3A_54] : memref<2x25x80xi32, #tpu.memory_space<vmem>> -> memref<1x25x80xi32, #tpu.memory_space<vmem>>
    %dma_start3A_56 = tpu.memref_squeeze %dma_start3A_55 : memref<1x25x80xi32, #tpu.memory_space<vmem>> -> memref<25x80xi32, #tpu.memory_space<vmem>>
    %dma_start3A_57 = arith.constant 25 : i32
    %dma_start3A_58 = arith.constant 0 : i32
    %dma_start3A_59 = tpu.memref_slice %arg3[%arg1, %dma_start3A_57, %dma_start3A_58] : memref<16x250x80xi32, #tpu.memory_space<hbm>> -> memref<1x25x80xi32, #tpu.memory_space<hbm>>
    %dma_start3A_60 = tpu.memref_squeeze %dma_start3A_59 : memref<1x25x80xi32, #tpu.memory_space<hbm>> -> memref<25x80xi32, #tpu.memory_space<hbm>>
    tpu.enqueue_dma source(%dma_start3A_60 : memref<25x80xi32, #tpu.memory_space<hbm>>) target(%dma_start3A_56 : memref<25x80xi32, #tpu.memory_space<vmem>>) target_semaphore(%arg21 : memref<!tpu.dma_semaphore, #tpu.memory_space<semaphore_mem>>)
    %dma_start3A_61 = arith.constant 1 : i32
    %dma_start3A_62 = arith.constant 0 : i32
    %dma_start3A_63 = arith.constant 0 : i32
    %dma_start3A_64 = tpu.memref_slice %arg11[%dma_start3A_61, %dma_start3A_62, %dma_start3A_63] : memref<2x25x80xi32, #tpu.memory_space<vmem>> -> memref<1x25x80xi32, #tpu.memory_space<vmem>>
    %dma_start3A_65 = tpu.memref_squeeze %dma_start3A_64 : memref<1x25x80xi32, #tpu.memory_space<vmem>> -> memref<25x80xi32, #tpu.memory_space<vmem>>
    %dma_start3A_66 = arith.constant 25 : i32
    %dma_start3A_67 = arith.constant 0 : i32
    %dma_start3A_68 = tpu.memref_slice %arg4[%arg1, %dma_start3A_66, %dma_start3A_67] : memref<16x250x80xi32, #tpu.memory_space<hbm>> -> memref<1x25x80xi32, #tpu.memory_space<hbm>>
    %dma_start3A_69 = tpu.memref_squeeze %dma_start3A_68 : memref<1x25x80xi32, #tpu.memory_space<hbm>> -> memref<25x80xi32, #tpu.memory_space<hbm>>
    %dma_start3A_70 = arith.constant 0 : i32
    %dma_start3A_71 = arith.constant 0 : i32
    %dma_start3A_72 = tpu.memref_slice %arg11[%dma_start3A_61, %dma_start3A_70, %dma_start3A_71] : memref<2x25x80xi32, #tpu.memory_space<vmem>> -> memref<1x25x80xi32, #tpu.memory_space<vmem>>
    %dma_start3A_73 = tpu.memref_squeeze %dma_start3A_72 : memref<1x25x80xi32, #tpu.memory_space<vmem>> -> memref<25x80xi32, #tpu.memory_space<vmem>>
    %dma_start3A_74 = arith.constant 25 : i32
    %dma_start3A_75 = arith.constant 0 : i32
    %dma_start3A_76 = tpu.memref_slice %arg4[%arg1, %dma_start3A_74, %dma_start3A_75] : memref<16x250x80xi32, #tpu.memory_space<hbm>> -> memref<1x25x80xi32, #tpu.memory_space<hbm>>
    %dma_start3A_77 = tpu.memref_squeeze %dma_start3A_76 : memref<1x25x80xi32, #tpu.memory_space<hbm>> -> memref<25x80xi32, #tpu.memory_space<hbm>>
    tpu.enqueue_dma source(%dma_start3A_77 : memref<25x80xi32, #tpu.memory_space<hbm>>) target(%dma_start3A_73 : memref<25x80xi32, #tpu.memory_space<vmem>>) target_semaphore(%arg22 : memref<!tpu.dma_semaphore, #tpu.memory_space<semaphore_mem>>)
    %div3A = arith.constant 0 : i32
    %div3A_78 = arith.constant 25 : i32
    %div3A_79 = arith.divsi %div3A, %div3A_78 : i32
    %rem3A = arith.constant 2 : i32
    %rem3A_80 = arith.remsi %div3A_79, %rem3A : i32
    %rem3A_81 = arith.constant 0 : i32
    %rem3A_82 = arith.constant 25 : i32
    %rem3A_83 = arith.remsi %rem3A_81, %rem3A_82 : i32
    %dma_start3A_84 = arith.constant 0 : i32
    %dma_start3A_85 = arith.constant 0 : i32
    %dma_start3A_86 = arith.constant 0 : i32
    %dma_start3A_87 = tpu.memref_slice %arg12[%dma_start3A_84, %dma_start3A_85, %dma_start3A_86] : memref<4x80x64xf32, #tpu.memory_space<vmem>> -> memref<1x80x64xf32, #tpu.memory_space<vmem>>
    %dma_start3A_88 = tpu.memref_squeeze %dma_start3A_87 : memref<1x80x64xf32, #tpu.memory_space<vmem>> -> memref<80x64xf32, #tpu.memory_space<vmem>>
    %dma_start3A_89 = arith.constant 0 : i32
    %dma_start3A_90 = tpu.memref_slice %arg10[%rem3A_80, %rem3A_83, %dma_start3A_89] : memref<2x25x80xi32, #tpu.memory_space<vmem>> -> memref<1x1x80xi32, #tpu.memory_space<vmem>>
    %dma_start3A_91 = tpu.memref_squeeze %dma_start3A_90 : memref<1x1x80xi32, #tpu.memory_space<vmem>> -> memref<80xi32, #tpu.memory_space<vmem>>
    %dma_start3A_92 = arith.constant 0 : i32
    %dma_start3A_93 = arith.constant 0 : i32
    %dma_start3A_94 = tpu.memref_slice %arg7[%dma_start3A_92, %dma_start3A_93] : memref<10240x64xf32, #tpu.memory_space<vmem_shared>> -> memref<10240x64xf32, #tpu.memory_space<vmem_shared>>
    tpu.enqueue_indirect_dma source(%dma_start3A_94 : memref<10240x64xf32, #tpu.memory_space<vmem_shared>>) target(%dma_start3A_88 : memref<80x64xf32, #tpu.memory_space<vmem>>) offsets(%dma_start3A_91 : memref<80xi32, #tpu.memory_space<vmem>>) semaphore(%arg17 : memref<!tpu.dma_semaphore, #tpu.memory_space<semaphore_mem>>)
    %div3A_95 = arith.constant 1 : i32
    %div3A_96 = arith.constant 25 : i32
    %div3A_97 = arith.divsi %div3A_95, %div3A_96 : i32
    %rem3A_98 = arith.constant 2 : i32
    %rem3A_99 = arith.remsi %div3A_97, %rem3A_98 : i32
    %rem3A_100 = arith.constant 1 : i32
    %rem3A_101 = arith.constant 25 : i32
    %rem3A_102 = arith.remsi %rem3A_100, %rem3A_101 : i32
    %dma_start3A_103 = arith.constant 1 : i32
    %dma_start3A_104 = arith.constant 0 : i32
    %dma_start3A_105 = arith.constant 0 : i32
    %dma_start3A_106 = tpu.memref_slice %arg12[%dma_start3A_103, %dma_start3A_104, %dma_start3A_105] : memref<4x80x64xf32, #tpu.memory_space<vmem>> -> memref<1x80x64xf32, #tpu.memory_space<vmem>>
    %dma_start3A_107 = tpu.memref_squeeze %dma_start3A_106 : memref<1x80x64xf32, #tpu.memory_space<vmem>> -> memref<80x64xf32, #tpu.memory_space<vmem>>
    %dma_start3A_108 = arith.constant 0 : i32
    %dma_start3A_109 = tpu.memref_slice %arg10[%rem3A_99, %rem3A_102, %dma_start3A_108] : memref<2x25x80xi32, #tpu.memory_space<vmem>> -> memref<1x1x80xi32, #tpu.memory_space<vmem>>
    %dma_start3A_110 = tpu.memref_squeeze %dma_start3A_109 : memref<1x1x80xi32, #tpu.memory_space<vmem>> -> memref<80xi32, #tpu.memory_space<vmem>>
    %dma_start3A_111 = arith.constant 0 : i32
    %dma_start3A_112 = arith.constant 0 : i32
    %dma_start3A_113 = tpu.memref_slice %arg7[%dma_start3A_111, %dma_start3A_112] : memref<10240x64xf32, #tpu.memory_space<vmem_shared>> -> memref<10240x64xf32, #tpu.memory_space<vmem_shared>>
    tpu.enqueue_indirect_dma source(%dma_start3A_113 : memref<10240x64xf32, #tpu.memory_space<vmem_shared>>) target(%dma_start3A_107 : memref<80x64xf32, #tpu.memory_space<vmem>>) offsets(%dma_start3A_110 : memref<80xi32, #tpu.memory_space<vmem>>) semaphore(%arg18 : memref<!tpu.dma_semaphore, #tpu.memory_space<semaphore_mem>>)
    %scan3A_114 = arith.constant 0 : i32
    %scan3A_115 = arith.constant 0 : i32
    %scan3A_116 = arith.constant 125 : i32
    %scan3A_117 = arith.addi %scan3A_115, %scan3A_116 : i32
    %scan3A_118 = arith.constant 1 : i32
    %scan3A_119 = scf.for %scan3A_170 = %scan3A_115 to %scan3A_117 step %scan3A_118 iter_args(%scan3A_171 = %scan3A_114) -> (i32)  : i32 {
      %mul3A_172 = arith.constant 2 : i32
      %mul3A_173 = arith.muli %mul3A_172, %scan3A_170 : i32
      %add3A = arith.constant 0 : i32
      %add3A_174 = arith.addi %mul3A_173, %add3A : i32
      %rem3A_175 = arith.constant 4 : i32
      %rem3A_176 = arith.remsi %add3A_174, %rem3A_175 : i32
      %add3A_177 = arith.constant 2 : i32
      %add3A_178 = arith.addi %add3A_174, %add3A_177 : i32
      %rem3A_179 = arith.constant 4 : i32
      %rem3A_180 = arith.remsi %add3A_178, %rem3A_179 : i32
      %div3A_181 = arith.constant 25 : i32
      %div3A_182 = arith.divsi %add3A_174, %div3A_181 : i32
      %rem3A_183 = arith.constant 2 : i32
      %rem3A_184 = arith.remsi %div3A_182, %rem3A_183 : i32
      %rem3A_185 = arith.constant 25 : i32
      %rem3A_186 = arith.remsi %add3A_174, %rem3A_185 : i32
      %dma_wait3A_187 = arith.constant 0 : i32
      %dma_wait3A_188 = arith.constant 0 : i32
      %dma_wait3A_189 = tpu.memref_slice %arg12[%rem3A_176, %dma_wait3A_187, %dma_wait3A_188] : memref<4x80x64xf32, #tpu.memory_space<vmem>> -> memref<1x80x64xf32, #tpu.memory_space<vmem>>
      %dma_wait3A_190 = tpu.memref_squeeze %dma_wait3A_189 : memref<1x80x64xf32, #tpu.memory_space<vmem>> -> memref<80x64xf32, #tpu.memory_space<vmem>>
      %dma_wait3A_191 = arith.constant 0 : i32
      %dma_wait3A_192 = tpu.memref_slice %arg10[%rem3A_184, %rem3A_186, %dma_wait3A_191] : memref<2x25x80xi32, #tpu.memory_space<vmem>> -> memref<1x1x80xi32, #tpu.memory_space<vmem>>
      %dma_wait3A_193 = tpu.memref_squeeze %dma_wait3A_192 : memref<1x1x80xi32, #tpu.memory_space<vmem>> -> memref<80xi32, #tpu.memory_space<vmem>>
      %dma_wait3A_194 = arith.constant 0 : i32
      %dma_wait3A_195 = arith.constant 0 : i32
      %dma_wait3A_196 = tpu.memref_slice %arg7[%dma_wait3A_194, %dma_wait3A_195] : memref<10240x64xf32, #tpu.memory_space<vmem_shared>> -> memref<10240x64xf32, #tpu.memory_space<vmem_shared>>
      tpu.wait_indirect_dma semaphore(%arg17 : memref<!tpu.dma_semaphore, #tpu.memory_space<semaphore_mem>>) src(%dma_wait3A_196 : memref<10240x64xf32, #tpu.memory_space<vmem_shared>>) dst(%dma_wait3A_190 : memref<80x64xf32, #tpu.memory_space<vmem>>)
      %ge3A = arith.constant 2 : i32
      %ge3A_197 = arith.cmpi sge, %add3A_174, %ge3A : i32
      %convert_element_type3A_198 = arith.extui %ge3A_197 : i1 to i32
      %cond3A_199 = arith.constant 0 : i32
      %cond3A_200 = arith.cmpi ne, %convert_element_type3A_198, %cond3A_199 : i32
      scf.if %cond3A_200 {
        %sub3A_388 = arith.constant 2 : i32
        %sub3A_389 = arith.subi %add3A_174, %sub3A_388 : i32
        %div3A_390 = arith.constant 25 : i32
        %div3A_391 = arith.divsi %sub3A_389, %div3A_390 : i32
        %rem3A_392 = arith.constant 2 : i32
        %rem3A_393 = arith.remsi %div3A_391, %rem3A_392 : i32
        %rem3A_394 = arith.constant 25 : i32
        %rem3A_395 = arith.remsi %sub3A_389, %rem3A_394 : i32
        %dma_wait3A_396 = arith.constant 0 : i32
        %dma_wait3A_397 = arith.constant 0 : i32
        %dma_wait3A_398 = tpu.memref_slice %arg12[%rem3A_180, %dma_wait3A_396, %dma_wait3A_397] : memref<4x80x64xf32, #tpu.memory_space<vmem>> -> memref<1x80x64xf32, #tpu.memory_space<vmem>>
        %dma_wait3A_399 = tpu.memref_squeeze %dma_wait3A_398 : memref<1x80x64xf32, #tpu.memory_space<vmem>> -> memref<80x64xf32, #tpu.memory_space<vmem>>
        %dma_wait3A_400 = arith.constant 0 : i32
        %dma_wait3A_401 = tpu.memref_slice %arg11[%rem3A_393, %rem3A_395, %dma_wait3A_400] : memref<2x25x80xi32, #tpu.memory_space<vmem>> -> memref<1x1x80xi32, #tpu.memory_space<vmem>>
        %dma_wait3A_402 = tpu.memref_squeeze %dma_wait3A_401 : memref<1x1x80xi32, #tpu.memory_space<vmem>> -> memref<80xi32, #tpu.memory_space<vmem>>
        %dma_wait3A_403 = arith.constant 0 : i32
        %dma_wait3A_404 = arith.constant 0 : i32
        %dma_wait3A_405 = tpu.memref_slice %arg8[%dma_wait3A_403, %dma_wait3A_404] : memref<10240x64xf32, #tpu.memory_space<vmem_shared>> -> memref<10240x64xf32, #tpu.memory_space<vmem_shared>>
        tpu.wait_indirect_dma semaphore(%arg19 : memref<!tpu.dma_semaphore, #tpu.memory_space<semaphore_mem>>) src(%dma_wait3A_399 : memref<80x64xf32, #tpu.memory_space<vmem>>) dst(%dma_wait3A_405 : memref<10240x64xf32, #tpu.memory_space<vmem_shared>>)
      } else {
      }
      %add3A_201 = arith.constant 2 : i32
      %add3A_202 = arith.addi %add3A_174, %add3A_201 : i32
      %rem3A_203 = arith.constant 25 : i32
      %rem3A_204 = arith.remsi %add3A_202, %rem3A_203 : i32
      %eq3A_205 = arith.constant 0 : i32
      %eq3A_206 = arith.cmpi eq, %rem3A_204, %eq3A_205 : i32
      %add3A_207 = arith.constant 2 : i32
      %add3A_208 = arith.addi %add3A_174, %add3A_207 : i32
      %lt3A = arith.constant 250 : i32
      %lt3A_209 = arith.cmpi slt, %add3A_208, %lt3A : i32
      %and3A = arith.andi %eq3A_206, %lt3A_209 : i1
      %convert_element_type3A_210 = arith.extui %and3A : i1 to i32
      %cond3A_211 = arith.constant 0 : i32
      %cond3A_212 = arith.cmpi ne, %convert_element_type3A_210, %cond3A_211 : i32
      scf.if %cond3A_212 {
        %add3A_388 = arith.constant 2 : i32
        %add3A_389 = arith.addi %add3A_174, %add3A_388 : i32
        %div3A_390 = arith.constant 25 : i32
        %div3A_391 = arith.divsi %add3A_389, %div3A_390 : i32
        %rem3A_392 = arith.constant 2 : i32
        %rem3A_393 = arith.remsi %div3A_391, %rem3A_392 : i32
        %add3A_394 = arith.constant 2 : i32
        %add3A_395 = arith.addi %add3A_174, %add3A_394 : i32
        %dma_wait3A_396 = arith.constant 0 : i32
        %dma_wait3A_397 = arith.constant 0 : i32
        %dma_wait3A_398 = tpu.memref_slice %arg10[%rem3A_393, %dma_wait3A_396, %dma_wait3A_397] : memref<2x25x80xi32, #tpu.memory_space<vmem>> -> memref<1x25x80xi32, #tpu.memory_space<vmem>>
        %dma_wait3A_399 = tpu.memref_squeeze %dma_wait3A_398 : memref<1x25x80xi32, #tpu.memory_space<vmem>> -> memref<25x80xi32, #tpu.memory_space<vmem>>
        %dma_wait3A_400 = arith.constant 0 : i32
        %dma_wait3A_401 = tpu.memref_slice %arg3[%arg1, %add3A_395, %dma_wait3A_400] : memref<16x250x80xi32, #tpu.memory_space<hbm>> -> memref<1x25x80xi32, #tpu.memory_space<hbm>>
        %dma_wait3A_402 = tpu.memref_squeeze %dma_wait3A_401 : memref<1x25x80xi32, #tpu.memory_space<hbm>> -> memref<25x80xi32, #tpu.memory_space<hbm>>
        %dma_wait3A_403 = arith.constant 0 : i32
        %dma_wait3A_404 = arith.constant 0 : i32
        %dma_wait3A_405 = tpu.memref_slice %arg10[%rem3A_393, %dma_wait3A_403, %dma_wait3A_404] : memref<2x25x80xi32, #tpu.memory_space<vmem>> -> memref<1x25x80xi32, #tpu.memory_space<vmem>>
        %dma_wait3A_406 = tpu.memref_squeeze %dma_wait3A_405 : memref<1x25x80xi32, #tpu.memory_space<vmem>> -> memref<25x80xi32, #tpu.memory_space<vmem>>
        %dma_wait3A_407 = arith.constant 0 : i32
        %dma_wait3A_408 = tpu.memref_slice %arg3[%arg1, %add3A_395, %dma_wait3A_407] : memref<16x250x80xi32, #tpu.memory_space<hbm>> -> memref<1x25x80xi32, #tpu.memory_space<hbm>>
        %dma_wait3A_409 = tpu.memref_squeeze %dma_wait3A_408 : memref<1x25x80xi32, #tpu.memory_space<hbm>> -> memref<25x80xi32, #tpu.memory_space<hbm>>
        tpu.wait_dma2 semaphore(%arg21 : memref<!tpu.dma_semaphore, #tpu.memory_space<semaphore_mem>>) src(%dma_wait3A_409 : memref<25x80xi32, #tpu.memory_space<hbm>>) dst(%dma_wait3A_406 : memref<25x80xi32, #tpu.memory_space<vmem>>)
        %add3A_410 = arith.constant 2 : i32
        %add3A_411 = arith.addi %add3A_174, %add3A_410 : i32
        %dma_wait3A_412 = arith.constant 0 : i32
        %dma_wait3A_413 = arith.constant 0 : i32
        %dma_wait3A_414 = tpu.memref_slice %arg11[%rem3A_393, %dma_wait3A_412, %dma_wait3A_413] : memref<2x25x80xi32, #tpu.memory_space<vmem>> -> memref<1x25x80xi32, #tpu.memory_space<vmem>>
        %dma_wait3A_415 = tpu.memref_squeeze %dma_wait3A_414 : memref<1x25x80xi32, #tpu.memory_space<vmem>> -> memref<25x80xi32, #tpu.memory_space<vmem>>
        %dma_wait3A_416 = arith.constant 0 : i32
        %dma_wait3A_417 = tpu.memref_slice %arg4[%arg1, %add3A_411, %dma_wait3A_416] : memref<16x250x80xi32, #tpu.memory_space<hbm>> -> memref<1x25x80xi32, #tpu.memory_space<hbm>>
        %dma_wait3A_418 = tpu.memref_squeeze %dma_wait3A_417 : memref<1x25x80xi32, #tpu.memory_space<hbm>> -> memref<25x80xi32, #tpu.memory_space<hbm>>
        %dma_wait3A_419 = arith.constant 0 : i32
        %dma_wait3A_420 = arith.constant 0 : i32
        %dma_wait3A_421 = tpu.memref_slice %arg11[%rem3A_393, %dma_wait3A_419, %dma_wait3A_420] : memref<2x25x80xi32, #tpu.memory_space<vmem>> -> memref<1x25x80xi32, #tpu.memory_space<vmem>>
        %dma_wait3A_422 = tpu.memref_squeeze %dma_wait3A_421 : memref<1x25x80xi32, #tpu.memory_space<vmem>> -> memref<25x80xi32, #tpu.memory_space<vmem>>
        %dma_wait3A_423 = arith.constant 0 : i32
        %dma_wait3A_424 = tpu.memref_slice %arg4[%arg1, %add3A_411, %dma_wait3A_423] : memref<16x250x80xi32, #tpu.memory_space<hbm>> -> memref<1x25x80xi32, #tpu.memory_space<hbm>>
        %dma_wait3A_425 = tpu.memref_squeeze %dma_wait3A_424 : memref<1x25x80xi32, #tpu.memory_space<hbm>> -> memref<25x80xi32, #tpu.memory_space<hbm>>
        tpu.wait_dma2 semaphore(%arg22 : memref<!tpu.dma_semaphore, #tpu.memory_space<semaphore_mem>>) src(%dma_wait3A_425 : memref<25x80xi32, #tpu.memory_space<hbm>>) dst(%dma_wait3A_422 : memref<25x80xi32, #tpu.memory_space<vmem>>)
      } else {
      }
      %rem3A_213 = arith.constant 25 : i32
      %rem3A_214 = arith.remsi %add3A_174, %rem3A_213 : i32
      %eq3A_215 = arith.constant 2 : i32
      %eq3A_216 = arith.cmpi eq, %rem3A_214, %eq3A_215 : i32
      %sub3A = arith.constant 2 : i32
      %sub3A_217 = arith.subi %add3A_174, %sub3A : i32
      %add3A_218 = arith.constant 25 : i32
      %add3A_219 = arith.addi %sub3A_217, %add3A_218 : i32
      %lt3A_220 = arith.constant 250 : i32
      %lt3A_221 = arith.cmpi slt, %add3A_219, %lt3A_220 : i32
      %and3A_222 = arith.andi %eq3A_216, %lt3A_221 : i1
      %gt3A = arith.constant 25 : i32
      %gt3A_223 = arith.cmpi sgt, %add3A_174, %gt3A : i32
      %and3A_224 = arith.andi %and3A_222, %gt3A_223 : i1
      %convert_element_type3A_225 = arith.extui %and3A_224 : i1 to i32
      %cond3A_226 = arith.constant 0 : i32
      %cond3A_227 = arith.cmpi ne, %convert_element_type3A_225, %cond3A_226 : i32
      scf.if %cond3A_227 {
        %div3A_388 = arith.constant 25 : i32
        %div3A_389 = arith.divsi %add3A_174, %div3A_388 : i32
        %rem3A_390 = arith.constant 2 : i32
        %rem3A_391 = arith.remsi %div3A_389, %rem3A_390 : i32
        %sub3A_392 = arith.constant 2 : i32
        %sub3A_393 = arith.subi %add3A_174, %sub3A_392 : i32
        %add3A_394 = arith.constant 25 : i32
        %add3A_395 = arith.addi %sub3A_393, %add3A_394 : i32
        %sub3A_396 = arith.constant 1 : i32
        %sub3A_397 = arith.subi %sub3A_396, %rem3A_391 : i32
        %dma_start3A_398 = arith.constant 0 : i32
        %dma_start3A_399 = arith.constant 0 : i32
        %dma_start3A_400 = tpu.memref_slice %arg10[%sub3A_397, %dma_start3A_398, %dma_start3A_399] : memref<2x25x80xi32, #tpu.memory_space<vmem>> -> memref<1x25x80xi32, #tpu.memory_space<vmem>>
        %dma_start3A_401 = tpu.memref_squeeze %dma_start3A_400 : memref<1x25x80xi32, #tpu.memory_space<vmem>> -> memref<25x80xi32, #tpu.memory_space<vmem>>
        %dma_start3A_402 = arith.constant 0 : i32
        %dma_start3A_403 = tpu.memref_slice %arg3[%arg1, %add3A_395, %dma_start3A_402] : memref<16x250x80xi32, #tpu.memory_space<hbm>> -> memref<1x25x80xi32, #tpu.memory_space<hbm>>
        %dma_start3A_404 = tpu.memref_squeeze %dma_start3A_403 : memref<1x25x80xi32, #tpu.memory_space<hbm>> -> memref<25x80xi32, #tpu.memory_space<hbm>>
        %dma_start3A_405 = arith.constant 0 : i32
        %dma_start3A_406 = arith.constant 0 : i32
        %dma_start3A_407 = tpu.memref_slice %arg10[%sub3A_397, %dma_start3A_405, %dma_start3A_406] : memref<2x25x80xi32, #tpu.memory_space<vmem>> -> memref<1x25x80xi32, #tpu.memory_space<vmem>>
        %dma_start3A_408 = tpu.memref_squeeze %dma_start3A_407 : memref<1x25x80xi32, #tpu.memory_space<vmem>> -> memref<25x80xi32, #tpu.memory_space<vmem>>
        %dma_start3A_409 = arith.constant 0 : i32
        %dma_start3A_410 = tpu.memref_slice %arg3[%arg1, %add3A_395, %dma_start3A_409] : memref<16x250x80xi32, #tpu.memory_space<hbm>> -> memref<1x25x80xi32, #tpu.memory_space<hbm>>
        %dma_start3A_411 = tpu.memref_squeeze %dma_start3A_410 : memref<1x25x80xi32, #tpu.memory_space<hbm>> -> memref<25x80xi32, #tpu.memory_space<hbm>>
        tpu.enqueue_dma source(%dma_start3A_411 : memref<25x80xi32, #tpu.memory_space<hbm>>) target(%dma_start3A_408 : memref<25x80xi32, #tpu.memory_space<vmem>>) target_semaphore(%arg21 : memref<!tpu.dma_semaphore, #tpu.memory_space<semaphore_mem>>)
        %sub3A_412 = arith.constant 1 : i32
        %sub3A_413 = arith.subi %sub3A_412, %rem3A_391 : i32
        %dma_start3A_414 = arith.constant 0 : i32
        %dma_start3A_415 = arith.constant 0 : i32
        %dma_start3A_416 = tpu.memref_slice %arg11[%sub3A_413, %dma_start3A_414, %dma_start3A_415] : memref<2x25x80xi32, #tpu.memory_space<vmem>> -> memref<1x25x80xi32, #tpu.memory_space<vmem>>
        %dma_start3A_417 = tpu.memref_squeeze %dma_start3A_416 : memref<1x25x80xi32, #tpu.memory_space<vmem>> -> memref<25x80xi32, #tpu.memory_space<vmem>>
        %dma_start3A_418 = arith.constant 0 : i32
        %dma_start3A_419 = tpu.memref_slice %arg4[%arg1, %add3A_395, %dma_start3A_418] : memref<16x250x80xi32, #tpu.memory_space<hbm>> -> memref<1x25x80xi32, #tpu.memory_space<hbm>>
        %dma_start3A_420 = tpu.memref_squeeze %dma_start3A_419 : memref<1x25x80xi32, #tpu.memory_space<hbm>> -> memref<25x80xi32, #tpu.memory_space<hbm>>
        %dma_start3A_421 = arith.constant 0 : i32
        %dma_start3A_422 = arith.constant 0 : i32
        %dma_start3A_423 = tpu.memref_slice %arg11[%sub3A_413, %dma_start3A_421, %dma_start3A_422] : memref<2x25x80xi32, #tpu.memory_space<vmem>> -> memref<1x25x80xi32, #tpu.memory_space<vmem>>
        %dma_start3A_424 = tpu.memref_squeeze %dma_start3A_423 : memref<1x25x80xi32, #tpu.memory_space<vmem>> -> memref<25x80xi32, #tpu.memory_space<vmem>>
        %dma_start3A_425 = arith.constant 0 : i32
        %dma_start3A_426 = tpu.memref_slice %arg4[%arg1, %add3A_395, %dma_start3A_425] : memref<16x250x80xi32, #tpu.memory_space<hbm>> -> memref<1x25x80xi32, #tpu.memory_space<hbm>>
        %dma_start3A_427 = tpu.memref_squeeze %dma_start3A_426 : memref<1x25x80xi32, #tpu.memory_space<hbm>> -> memref<25x80xi32, #tpu.memory_space<hbm>>
        tpu.enqueue_dma source(%dma_start3A_427 : memref<25x80xi32, #tpu.memory_space<hbm>>) target(%dma_start3A_424 : memref<25x80xi32, #tpu.memory_space<vmem>>) target_semaphore(%arg22 : memref<!tpu.dma_semaphore, #tpu.memory_space<semaphore_mem>>)
      } else {
      }
      %add3A_228 = arith.constant 2 : i32
      %add3A_229 = arith.addi %add3A_174, %add3A_228 : i32
      %lt3A_230 = arith.constant 250 : i32
      %lt3A_231 = arith.cmpi slt, %add3A_229, %lt3A_230 : i32
      %convert_element_type3A_232 = arith.extui %lt3A_231 : i1 to i32
      %cond3A_233 = arith.constant 0 : i32
      %cond3A_234 = arith.cmpi ne, %convert_element_type3A_232, %cond3A_233 : i32
      scf.if %cond3A_234 {
        %add3A_388 = arith.constant 2 : i32
        %add3A_389 = arith.addi %add3A_174, %add3A_388 : i32
        %div3A_390 = arith.constant 25 : i32
        %div3A_391 = arith.divsi %add3A_389, %div3A_390 : i32
        %rem3A_392 = arith.constant 2 : i32
        %rem3A_393 = arith.remsi %div3A_391, %rem3A_392 : i32
        %rem3A_394 = arith.constant 25 : i32
        %rem3A_395 = arith.remsi %add3A_389, %rem3A_394 : i32
        %dma_start3A_396 = arith.constant 0 : i32
        %dma_start3A_397 = arith.constant 0 : i32
        %dma_start3A_398 = tpu.memref_slice %arg12[%rem3A_180, %dma_start3A_396, %dma_start3A_397] : memref<4x80x64xf32, #tpu.memory_space<vmem>> -> memref<1x80x64xf32, #tpu.memory_space<vmem>>
        %dma_start3A_399 = tpu.memref_squeeze %dma_start3A_398 : memref<1x80x64xf32, #tpu.memory_space<vmem>> -> memref<80x64xf32, #tpu.memory_space<vmem>>
        %dma_start3A_400 = arith.constant 0 : i32
        %dma_start3A_401 = tpu.memref_slice %arg10[%rem3A_393, %rem3A_395, %dma_start3A_400] : memref<2x25x80xi32, #tpu.memory_space<vmem>> -> memref<1x1x80xi32, #tpu.memory_space<vmem>>
        %dma_start3A_402 = tpu.memref_squeeze %dma_start3A_401 : memref<1x1x80xi32, #tpu.memory_space<vmem>> -> memref<80xi32, #tpu.memory_space<vmem>>
        %dma_start3A_403 = arith.constant 0 : i32
        %dma_start3A_404 = arith.constant 0 : i32
        %dma_start3A_405 = tpu.memref_slice %arg7[%dma_start3A_403, %dma_start3A_404] : memref<10240x64xf32, #tpu.memory_space<vmem_shared>> -> memref<10240x64xf32, #tpu.memory_space<vmem_shared>>
        tpu.enqueue_indirect_dma source(%dma_start3A_405 : memref<10240x64xf32, #tpu.memory_space<vmem_shared>>) target(%dma_start3A_399 : memref<80x64xf32, #tpu.memory_space<vmem>>) offsets(%dma_start3A_402 : memref<80xi32, #tpu.memory_space<vmem>>) semaphore(%arg17 : memref<!tpu.dma_semaphore, #tpu.memory_space<semaphore_mem>>)
      } else {
      }
      %div3A_235 = arith.constant 25 : i32
      %div3A_236 = arith.divsi %add3A_174, %div3A_235 : i32
      %rem3A_237 = arith.constant 2 : i32
      %rem3A_238 = arith.remsi %div3A_236, %rem3A_237 : i32
      %rem3A_239 = arith.constant 25 : i32
      %rem3A_240 = arith.remsi %add3A_174, %rem3A_239 : i32
      %dma_start3A_241 = arith.constant 0 : i32
      %dma_start3A_242 = arith.constant 0 : i32
      %dma_start3A_243 = tpu.memref_slice %arg12[%rem3A_176, %dma_start3A_241, %dma_start3A_242] : memref<4x80x64xf32, #tpu.memory_space<vmem>> -> memref<1x80x64xf32, #tpu.memory_space<vmem>>
      %dma_start3A_244 = tpu.memref_squeeze %dma_start3A_243 : memref<1x80x64xf32, #tpu.memory_space<vmem>> -> memref<80x64xf32, #tpu.memory_space<vmem>>
      %dma_start3A_245 = arith.constant 0 : i32
      %dma_start3A_246 = tpu.memref_slice %arg11[%rem3A_238, %rem3A_240, %dma_start3A_245] : memref<2x25x80xi32, #tpu.memory_space<vmem>> -> memref<1x1x80xi32, #tpu.memory_space<vmem>>
      %dma_start3A_247 = tpu.memref_squeeze %dma_start3A_246 : memref<1x1x80xi32, #tpu.memory_space<vmem>> -> memref<80xi32, #tpu.memory_space<vmem>>
      %dma_start3A_248 = arith.constant 0 : i32
      %dma_start3A_249 = arith.constant 0 : i32
      %dma_start3A_250 = tpu.memref_slice %arg8[%dma_start3A_248, %dma_start3A_249] : memref<10240x64xf32, #tpu.memory_space<vmem_shared>> -> memref<10240x64xf32, #tpu.memory_space<vmem_shared>>
      tpu.enqueue_indirect_dma source(%dma_start3A_244 : memref<80x64xf32, #tpu.memory_space<vmem>>) target(%dma_start3A_250 : memref<10240x64xf32, #tpu.memory_space<vmem_shared>>) offsets(%dma_start3A_247 : memref<80xi32, #tpu.memory_space<vmem>>) semaphore(%arg19 : memref<!tpu.dma_semaphore, #tpu.memory_space<semaphore_mem>>) {add = true}
      %div3A_251 = arith.constant 25 : i32
      %div3A_252 = arith.divsi %add3A_174, %div3A_251 : i32
      %rem3A_253 = arith.constant 2 : i32
      %rem3A_254 = arith.remsi %div3A_252, %rem3A_253 : i32
      %rem3A_255 = arith.constant 25 : i32
      %rem3A_256 = arith.remsi %add3A_174, %rem3A_255 : i32
      %get3A = arith.index_cast %rem3A_254 : i32 to index
      %get3A_257 = arith.index_cast %rem3A_256 : i32 to index
      %get3A_258 = arith.constant 0 : index
      %get3A_259 = tpu.vector_load %arg11[%get3A, %get3A_257, %get3A_258] {strides = array<i32>} : memref<2x25x80xi32, #tpu.memory_space<vmem>>, vector<16xi32>,
      tpu.vector_store_idx %arg14[%get3A_259], %broadcast_in_dim3A_43 {add = true} : memref<10240xf32, #tpu.memory_space<vmem>>[vector<16xi32>], vector<16xf32>,
      %get3A_260 = arith.index_cast %rem3A_254 : i32 to index
      %get3A_261 = arith.index_cast %rem3A_256 : i32 to index
      %get3A_262 = arith.constant 16 : index
      %get3A_263 = tpu.vector_load %arg11[%get3A_260, %get3A_261, %get3A_262] {strides = array<i32>} : memref<2x25x80xi32, #tpu.memory_space<vmem>>, vector<16xi32>,
      tpu.vector_store_idx %arg14[%get3A_263], %broadcast_in_dim3A_43 {add = true} : memref<10240xf32, #tpu.memory_space<vmem>>[vector<16xi32>], vector<16xf32>,
      %get3A_264 = arith.index_cast %rem3A_254 : i32 to index
      %get3A_265 = arith.index_cast %rem3A_256 : i32 to index
      %get3A_266 = arith.constant 32 : index
      %get3A_267 = tpu.vector_load %arg11[%get3A_264, %get3A_265, %get3A_266] {strides = array<i32>} : memref<2x25x80xi32, #tpu.memory_space<vmem>>, vector<16xi32>,
      tpu.vector_store_idx %arg14[%get3A_267], %broadcast_in_dim3A_43 {add = true} : memref<10240xf32, #tpu.memory_space<vmem>>[vector<16xi32>], vector<16xf32>,
      %get3A_268 = arith.index_cast %rem3A_254 : i32 to index
      %get3A_269 = arith.index_cast %rem3A_256 : i32 to index
      %get3A_270 = arith.constant 48 : index
      %get3A_271 = tpu.vector_load %arg11[%get3A_268, %get3A_269, %get3A_270] {strides = array<i32>} : memref<2x25x80xi32, #tpu.memory_space<vmem>>, vector<16xi32>,
      tpu.vector_store_idx %arg14[%get3A_271], %broadcast_in_dim3A_43 {add = true} : memref<10240xf32, #tpu.memory_space<vmem>>[vector<16xi32>], vector<16xf32>,
      %get3A_272 = arith.index_cast %rem3A_254 : i32 to index
      %get3A_273 = arith.index_cast %rem3A_256 : i32 to index
      %get3A_274 = arith.constant 64 : index
      %get3A_275 = tpu.vector_load %arg11[%get3A_272, %get3A_273, %get3A_274] {strides = array<i32>} : memref<2x25x80xi32, #tpu.memory_space<vmem>>, vector<16xi32>,
      tpu.vector_store_idx %arg14[%get3A_275], %broadcast_in_dim3A_43 {add = true} : memref<10240xf32, #tpu.memory_space<vmem>>[vector<16xi32>], vector<16xf32>,
      %mul3A_276 = arith.constant 2 : i32
      %mul3A_277 = arith.muli %mul3A_276, %scan3A_170 : i32
      %add3A_278 = arith.constant 1 : i32
      %add3A_279 = arith.addi %mul3A_277, %add3A_278 : i32
      %rem3A_280 = arith.constant 4 : i32
      %rem3A_281 = arith.remsi %add3A_279, %rem3A_280 : i32
      %add3A_282 = arith.constant 2 : i32
      %add3A_283 = arith.addi %add3A_279, %add3A_282 : i32
      %rem3A_284 = arith.constant 4 : i32
      %rem3A_285 = arith.remsi %add3A_283, %rem3A_284 : i32
      %div3A_286 = arith.constant 25 : i32
      %div3A_287 = arith.divsi %add3A_279, %div3A_286 : i32
      %rem3A_288 = arith.constant 2 : i32
      %rem3A_289 = arith.remsi %div3A_287, %rem3A_288 : i32
      %rem3A_290 = arith.constant 25 : i32
      %rem3A_291 = arith.remsi %add3A_279, %rem3A_290 : i32
      %dma_wait3A_292 = arith.constant 0 : i32
      %dma_wait3A_293 = arith.constant 0 : i32
      %dma_wait3A_294 = tpu.memref_slice %arg12[%rem3A_281, %dma_wait3A_292, %dma_wait3A_293] : memref<4x80x64xf32, #tpu.memory_space<vmem>> -> memref<1x80x64xf32, #tpu.memory_space<vmem>>
      %dma_wait3A_295 = tpu.memref_squeeze %dma_wait3A_294 : memref<1x80x64xf32, #tpu.memory_space<vmem>> -> memref<80x64xf32, #tpu.memory_space<vmem>>
      %dma_wait3A_296 = arith.constant 0 : i32
      %dma_wait3A_297 = tpu.memref_slice %arg10[%rem3A_289, %rem3A_291, %dma_wait3A_296] : memref<2x25x80xi32, #tpu.memory_space<vmem>> -> memref<1x1x80xi32, #tpu.memory_space<vmem>>
      %dma_wait3A_298 = tpu.memref_squeeze %dma_wait3A_297 : memref<1x1x80xi32, #tpu.memory_space<vmem>> -> memref<80xi32, #tpu.memory_space<vmem>>
      %dma_wait3A_299 = arith.constant 0 : i32
      %dma_wait3A_300 = arith.constant 0 : i32
      %dma_wait3A_301 = tpu.memref_slice %arg7[%dma_wait3A_299, %dma_wait3A_300] : memref<10240x64xf32, #tpu.memory_space<vmem_shared>> -> memref<10240x64xf32, #tpu.memory_space<vmem_shared>>
      tpu.wait_indirect_dma semaphore(%arg18 : memref<!tpu.dma_semaphore, #tpu.memory_space<semaphore_mem>>) src(%dma_wait3A_301 : memref<10240x64xf32, #tpu.memory_space<vmem_shared>>) dst(%dma_wait3A_295 : memref<80x64xf32, #tpu.memory_space<vmem>>)
      %ge3A_302 = arith.constant 2 : i32
      %ge3A_303 = arith.cmpi sge, %add3A_279, %ge3A_302 : i32
      %convert_element_type3A_304 = arith.extui %ge3A_303 : i1 to i32
      %cond3A_305 = arith.constant 0 : i32
      %cond3A_306 = arith.cmpi ne, %convert_element_type3A_304, %cond3A_305 : i32
      scf.if %cond3A_306 {
        %sub3A_388 = arith.constant 2 : i32
        %sub3A_389 = arith.subi %add3A_279, %sub3A_388 : i32
        %div3A_390 = arith.constant 25 : i32
        %div3A_391 = arith.divsi %sub3A_389, %div3A_390 : i32
        %rem3A_392 = arith.constant 2 : i32
        %rem3A_393 = arith.remsi %div3A_391, %rem3A_392 : i32
        %rem3A_394 = arith.constant 25 : i32
        %rem3A_395 = arith.remsi %sub3A_389, %rem3A_394 : i32
        %dma_wait3A_396 = arith.constant 0 : i32
        %dma_wait3A_397 = arith.constant 0 : i32
        %dma_wait3A_398 = tpu.memref_slice %arg12[%rem3A_285, %dma_wait3A_396, %dma_wait3A_397] : memref<4x80x64xf32, #tpu.memory_space<vmem>> -> memref<1x80x64xf32, #tpu.memory_space<vmem>>
        %dma_wait3A_399 = tpu.memref_squeeze %dma_wait3A_398 : memref<1x80x64xf32, #tpu.memory_space<vmem>> -> memref<80x64xf32, #tpu.memory_space<vmem>>
        %dma_wait3A_400 = arith.constant 0 : i32
        %dma_wait3A_401 = tpu.memref_slice %arg11[%rem3A_393, %rem3A_395, %dma_wait3A_400] : memref<2x25x80xi32, #tpu.memory_space<vmem>> -> memref<1x1x80xi32, #tpu.memory_space<vmem>>
        %dma_wait3A_402 = tpu.memref_squeeze %dma_wait3A_401 : memref<1x1x80xi32, #tpu.memory_space<vmem>> -> memref<80xi32, #tpu.memory_space<vmem>>
        %dma_wait3A_403 = arith.constant 0 : i32
        %dma_wait3A_404 = arith.constant 0 : i32
        %dma_wait3A_405 = tpu.memref_slice %arg8[%dma_wait3A_403, %dma_wait3A_404] : memref<10240x64xf32, #tpu.memory_space<vmem_shared>> -> memref<10240x64xf32, #tpu.memory_space<vmem_shared>>
        tpu.wait_indirect_dma semaphore(%arg20 : memref<!tpu.dma_semaphore, #tpu.memory_space<semaphore_mem>>) src(%dma_wait3A_399 : memref<80x64xf32, #tpu.memory_space<vmem>>) dst(%dma_wait3A_405 : memref<10240x64xf32, #tpu.memory_space<vmem_shared>>)
      } else {
      }
      %add3A_307 = arith.constant 2 : i32
      %add3A_308 = arith.addi %add3A_279, %add3A_307 : i32
      %rem3A_309 = arith.constant 25 : i32
      %rem3A_310 = arith.remsi %add3A_308, %rem3A_309 : i32
      %eq3A_311 = arith.constant 0 : i32
      %eq3A_312 = arith.cmpi eq, %rem3A_310, %eq3A_311 : i32
      %add3A_313 = arith.constant 2 : i32
      %add3A_314 = arith.addi %add3A_279, %add3A_313 : i32
      %lt3A_315 = arith.constant 250 : i32
      %lt3A_316 = arith.cmpi slt, %add3A_314, %lt3A_315 : i32
      %and3A_317 = arith.andi %eq3A_312, %lt3A_316 : i1
      %convert_element_type3A_318 = arith.extui %and3A_317 : i1 to i32
      %cond3A_319 = arith.constant 0 : i32
      %cond3A_320 = arith.cmpi ne, %convert_element_type3A_318, %cond3A_319 : i32
      scf.if %cond3A_320 {
        %add3A_388 = arith.constant 2 : i32
        %add3A_389 = arith.addi %add3A_279, %add3A_388 : i32
        %div3A_390 = arith.constant 25 : i32
        %div3A_391 = arith.divsi %add3A_389, %div3A_390 : i32
        %rem3A_392 = arith.constant 2 : i32
        %rem3A_393 = arith.remsi %div3A_391, %rem3A_392 : i32
        %add3A_394 = arith.constant 2 : i32
        %add3A_395 = arith.addi %add3A_279, %add3A_394 : i32
        %dma_wait3A_396 = arith.constant 0 : i32
        %dma_wait3A_397 = arith.constant 0 : i32
        %dma_wait3A_398 = tpu.memref_slice %arg10[%rem3A_393, %dma_wait3A_396, %dma_wait3A_397] : memref<2x25x80xi32, #tpu.memory_space<vmem>> -> memref<1x25x80xi32, #tpu.memory_space<vmem>>
        %dma_wait3A_399 = tpu.memref_squeeze %dma_wait3A_398 : memref<1x25x80xi32, #tpu.memory_space<vmem>> -> memref<25x80xi32, #tpu.memory_space<vmem>>
        %dma_wait3A_400 = arith.constant 0 : i32
        %dma_wait3A_401 = tpu.memref_slice %arg3[%arg1, %add3A_395, %dma_wait3A_400] : memref<16x250x80xi32, #tpu.memory_space<hbm>> -> memref<1x25x80xi32, #tpu.memory_space<hbm>>
        %dma_wait3A_402 = tpu.memref_squeeze %dma_wait3A_401 : memref<1x25x80xi32, #tpu.memory_space<hbm>> -> memref<25x80xi32, #tpu.memory_space<hbm>>
        %dma_wait3A_403 = arith.constant 0 : i32
        %dma_wait3A_404 = arith.constant 0 : i32
        %dma_wait3A_405 = tpu.memref_slice %arg10[%rem3A_393, %dma_wait3A_403, %dma_wait3A_404] : memref<2x25x80xi32, #tpu.memory_space<vmem>> -> memref<1x25x80xi32, #tpu.memory_space<vmem>>
        %dma_wait3A_406 = tpu.memref_squeeze %dma_wait3A_405 : memref<1x25x80xi32, #tpu.memory_space<vmem>> -> memref<25x80xi32, #tpu.memory_space<vmem>>
        %dma_wait3A_407 = arith.constant 0 : i32
        %dma_wait3A_408 = tpu.memref_slice %arg3[%arg1, %add3A_395, %dma_wait3A_407] : memref<16x250x80xi32, #tpu.memory_space<hbm>> -> memref<1x25x80xi32, #tpu.memory_space<hbm>>
        %dma_wait3A_409 = tpu.memref_squeeze %dma_wait3A_408 : memref<1x25x80xi32, #tpu.memory_space<hbm>> -> memref<25x80xi32, #tpu.memory_space<hbm>>
        tpu.wait_dma2 semaphore(%arg21 : memref<!tpu.dma_semaphore, #tpu.memory_space<semaphore_mem>>) src(%dma_wait3A_409 : memref<25x80xi32, #tpu.memory_space<hbm>>) dst(%dma_wait3A_406 : memref<25x80xi32, #tpu.memory_space<vmem>>)
        %add3A_410 = arith.constant 2 : i32
        %add3A_411 = arith.addi %add3A_279, %add3A_410 : i32
        %dma_wait3A_412 = arith.constant 0 : i32
        %dma_wait3A_413 = arith.constant 0 : i32
        %dma_wait3A_414 = tpu.memref_slice %arg11[%rem3A_393, %dma_wait3A_412, %dma_wait3A_413] : memref<2x25x80xi32, #tpu.memory_space<vmem>> -> memref<1x25x80xi32, #tpu.memory_space<vmem>>
        %dma_wait3A_415 = tpu.memref_squeeze %dma_wait3A_414 : memref<1x25x80xi32, #tpu.memory_space<vmem>> -> memref<25x80xi32, #tpu.memory_space<vmem>>
        %dma_wait3A_416 = arith.constant 0 : i32
        %dma_wait3A_417 = tpu.memref_slice %arg4[%arg1, %add3A_411, %dma_wait3A_416] : memref<16x250x80xi32, #tpu.memory_space<hbm>> -> memref<1x25x80xi32, #tpu.memory_space<hbm>>
        %dma_wait3A_418 = tpu.memref_squeeze %dma_wait3A_417 : memref<1x25x80xi32, #tpu.memory_space<hbm>> -> memref<25x80xi32, #tpu.memory_space<hbm>>
        %dma_wait3A_419 = arith.constant 0 : i32
        %dma_wait3A_420 = arith.constant 0 : i32
        %dma_wait3A_421 = tpu.memref_slice %arg11[%rem3A_393, %dma_wait3A_419, %dma_wait3A_420] : memref<2x25x80xi32, #tpu.memory_space<vmem>> -> memref<1x25x80xi32, #tpu.memory_space<vmem>>
        %dma_wait3A_422 = tpu.memref_squeeze %dma_wait3A_421 : memref<1x25x80xi32, #tpu.memory_space<vmem>> -> memref<25x80xi32, #tpu.memory_space<vmem>>
        %dma_wait3A_423 = arith.constant 0 : i32
        %dma_wait3A_424 = tpu.memref_slice %arg4[%arg1, %add3A_411, %dma_wait3A_423] : memref<16x250x80xi32, #tpu.memory_space<hbm>> -> memref<1x25x80xi32, #tpu.memory_space<hbm>>
        %dma_wait3A_425 = tpu.memref_squeeze %dma_wait3A_424 : memref<1x25x80xi32, #tpu.memory_space<hbm>> -> memref<25x80xi32, #tpu.memory_space<hbm>>
        tpu.wait_dma2 semaphore(%arg22 : memref<!tpu.dma_semaphore, #tpu.memory_space<semaphore_mem>>) src(%dma_wait3A_425 : memref<25x80xi32, #tpu.memory_space<hbm>>) dst(%dma_wait3A_422 : memref<25x80xi32, #tpu.memory_space<vmem>>)
      } else {
      }
      %rem3A_321 = arith.constant 25 : i32
      %rem3A_322 = arith.remsi %add3A_279, %rem3A_321 : i32
      %eq3A_323 = arith.constant 2 : i32
      %eq3A_324 = arith.cmpi eq, %rem3A_322, %eq3A_323 : i32
      %sub3A_325 = arith.constant 2 : i32
      %sub3A_326 = arith.subi %add3A_279, %sub3A_325 : i32
      %add3A_327 = arith.constant 25 : i32
      %add3A_328 = arith.addi %sub3A_326, %add3A_327 : i32
      %lt3A_329 = arith.constant 250 : i32
      %lt3A_330 = arith.cmpi slt, %add3A_328, %lt3A_329 : i32
      %and3A_331 = arith.andi %eq3A_324, %lt3A_330 : i1
      %gt3A_332 = arith.constant 25 : i32
      %gt3A_333 = arith.cmpi sgt, %add3A_279, %gt3A_332 : i32
      %and3A_334 = arith.andi %and3A_331, %gt3A_333 : i1
      %convert_element_type3A_335 = arith.extui %and3A_334 : i1 to i32
      %cond3A_336 = arith.constant 0 : i32
      %cond3A_337 = arith.cmpi ne, %convert_element_type3A_335, %cond3A_336 : i32
      scf.if %cond3A_337 {
        %div3A_388 = arith.constant 25 : i32
        %div3A_389 = arith.divsi %add3A_279, %div3A_388 : i32
        %rem3A_390 = arith.constant 2 : i32
        %rem3A_391 = arith.remsi %div3A_389, %rem3A_390 : i32
        %sub3A_392 = arith.constant 2 : i32
        %sub3A_393 = arith.subi %add3A_279, %sub3A_392 : i32
        %add3A_394 = arith.constant 25 : i32
        %add3A_395 = arith.addi %sub3A_393, %add3A_394 : i32
        %sub3A_396 = arith.constant 1 : i32
        %sub3A_397 = arith.subi %sub3A_396, %rem3A_391 : i32
        %dma_start3A_398 = arith.constant 0 : i32
        %dma_start3A_399 = arith.constant 0 : i32
        %dma_start3A_400 = tpu.memref_slice %arg10[%sub3A_397, %dma_start3A_398, %dma_start3A_399] : memref<2x25x80xi32, #tpu.memory_space<vmem>> -> memref<1x25x80xi32, #tpu.memory_space<vmem>>
        %dma_start3A_401 = tpu.memref_squeeze %dma_start3A_400 : memref<1x25x80xi32, #tpu.memory_space<vmem>> -> memref<25x80xi32, #tpu.memory_space<vmem>>
        %dma_start3A_402 = arith.constant 0 : i32
        %dma_start3A_403 = tpu.memref_slice %arg3[%arg1, %add3A_395, %dma_start3A_402] : memref<16x250x80xi32, #tpu.memory_space<hbm>> -> memref<1x25x80xi32, #tpu.memory_space<hbm>>
        %dma_start3A_404 = tpu.memref_squeeze %dma_start3A_403 : memref<1x25x80xi32, #tpu.memory_space<hbm>> -> memref<25x80xi32, #tpu.memory_space<hbm>>
        %dma_start3A_405 = arith.constant 0 : i32
        %dma_start3A_406 = arith.constant 0 : i32
        %dma_start3A_407 = tpu.memref_slice %arg10[%sub3A_397, %dma_start3A_405, %dma_start3A_406] : memref<2x25x80xi32, #tpu.memory_space<vmem>> -> memref<1x25x80xi32, #tpu.memory_space<vmem>>
        %dma_start3A_408 = tpu.memref_squeeze %dma_start3A_407 : memref<1x25x80xi32, #tpu.memory_space<vmem>> -> memref<25x80xi32, #tpu.memory_space<vmem>>
        %dma_start3A_409 = arith.constant 0 : i32
        %dma_start3A_410 = tpu.memref_slice %arg3[%arg1, %add3A_395, %dma_start3A_409] : memref<16x250x80xi32, #tpu.memory_space<hbm>> -> memref<1x25x80xi32, #tpu.memory_space<hbm>>
        %dma_start3A_411 = tpu.memref_squeeze %dma_start3A_410 : memref<1x25x80xi32, #tpu.memory_space<hbm>> -> memref<25x80xi32, #tpu.memory_space<hbm>>
        tpu.enqueue_dma source(%dma_start3A_411 : memref<25x80xi32, #tpu.memory_space<hbm>>) target(%dma_start3A_408 : memref<25x80xi32, #tpu.memory_space<vmem>>) target_semaphore(%arg21 : memref<!tpu.dma_semaphore, #tpu.memory_space<semaphore_mem>>)
        %sub3A_412 = arith.constant 1 : i32
        %sub3A_413 = arith.subi %sub3A_412, %rem3A_391 : i32
        %dma_start3A_414 = arith.constant 0 : i32
        %dma_start3A_415 = arith.constant 0 : i32
        %dma_start3A_416 = tpu.memref_slice %arg11[%sub3A_413, %dma_start3A_414, %dma_start3A_415] : memref<2x25x80xi32, #tpu.memory_space<vmem>> -> memref<1x25x80xi32, #tpu.memory_space<vmem>>
        %dma_start3A_417 = tpu.memref_squeeze %dma_start3A_416 : memref<1x25x80xi32, #tpu.memory_space<vmem>> -> memref<25x80xi32, #tpu.memory_space<vmem>>
        %dma_start3A_418 = arith.constant 0 : i32
        %dma_start3A_419 = tpu.memref_slice %arg4[%arg1, %add3A_395, %dma_start3A_418] : memref<16x250x80xi32, #tpu.memory_space<hbm>> -> memref<1x25x80xi32, #tpu.memory_space<hbm>>
        %dma_start3A_420 = tpu.memref_squeeze %dma_start3A_419 : memref<1x25x80xi32, #tpu.memory_space<hbm>> -> memref<25x80xi32, #tpu.memory_space<hbm>>
        %dma_start3A_421 = arith.constant 0 : i32
        %dma_start3A_422 = arith.constant 0 : i32
        %dma_start3A_423 = tpu.memref_slice %arg11[%sub3A_413, %dma_start3A_421, %dma_start3A_422] : memref<2x25x80xi32, #tpu.memory_space<vmem>> -> memref<1x25x80xi32, #tpu.memory_space<vmem>>
        %dma_start3A_424 = tpu.memref_squeeze %dma_start3A_423 : memref<1x25x80xi32, #tpu.memory_space<vmem>> -> memref<25x80xi32, #tpu.memory_space<vmem>>
        %dma_start3A_425 = arith.constant 0 : i32
        %dma_start3A_426 = tpu.memref_slice %arg4[%arg1, %add3A_395, %dma_start3A_425] : memref<16x250x80xi32, #tpu.memory_space<hbm>> -> memref<1x25x80xi32, #tpu.memory_space<hbm>>
        %dma_start3A_427 = tpu.memref_squeeze %dma_start3A_426 : memref<1x25x80xi32, #tpu.memory_space<hbm>> -> memref<25x80xi32, #tpu.memory_space<hbm>>
        tpu.enqueue_dma source(%dma_start3A_427 : memref<25x80xi32, #tpu.memory_space<hbm>>) target(%dma_start3A_424 : memref<25x80xi32, #tpu.memory_space<vmem>>) target_semaphore(%arg22 : memref<!tpu.dma_semaphore, #tpu.memory_space<semaphore_mem>>)
      } else {
      }
      %add3A_338 = arith.constant 2 : i32
      %add3A_339 = arith.addi %add3A_279, %add3A_338 : i32
      %lt3A_340 = arith.constant 250 : i32
      %lt3A_341 = arith.cmpi slt, %add3A_339, %lt3A_340 : i32
      %convert_element_type3A_342 = arith.extui %lt3A_341 : i1 to i32
      %cond3A_343 = arith.constant 0 : i32
      %cond3A_344 = arith.cmpi ne, %convert_element_type3A_342, %cond3A_343 : i32
      scf.if %cond3A_344 {
        %add3A_388 = arith.constant 2 : i32
        %add3A_389 = arith.addi %add3A_279, %add3A_388 : i32
        %div3A_390 = arith.constant 25 : i32
        %div3A_391 = arith.divsi %add3A_389, %div3A_390 : i32
        %rem3A_392 = arith.constant 2 : i32
        %rem3A_393 = arith.remsi %div3A_391, %rem3A_392 : i32
        %rem3A_394 = arith.constant 25 : i32
        %rem3A_395 = arith.remsi %add3A_389, %rem3A_394 : i32
        %dma_start3A_396 = arith.constant 0 : i32
        %dma_start3A_397 = arith.constant 0 : i32
        %dma_start3A_398 = tpu.memref_slice %arg12[%rem3A_285, %dma_start3A_396, %dma_start3A_397] : memref<4x80x64xf32, #tpu.memory_space<vmem>> -> memref<1x80x64xf32, #tpu.memory_space<vmem>>
        %dma_start3A_399 = tpu.memref_squeeze %dma_start3A_398 : memref<1x80x64xf32, #tpu.memory_space<vmem>> -> memref<80x64xf32, #tpu.memory_space<vmem>>
        %dma_start3A_400 = arith.constant 0 : i32
        %dma_start3A_401 = tpu.memref_slice %arg10[%rem3A_393, %rem3A_395, %dma_start3A_400] : memref<2x25x80xi32, #tpu.memory_space<vmem>> -> memref<1x1x80xi32, #tpu.memory_space<vmem>>
        %dma_start3A_402 = tpu.memref_squeeze %dma_start3A_401 : memref<1x1x80xi32, #tpu.memory_space<vmem>> -> memref<80xi32, #tpu.memory_space<vmem>>
        %dma_start3A_403 = arith.constant 0 : i32
        %dma_start3A_404 = arith.constant 0 : i32
        %dma_start3A_405 = tpu.memref_slice %arg7[%dma_start3A_403, %dma_start3A_404] : memref<10240x64xf32, #tpu.memory_space<vmem_shared>> -> memref<10240x64xf32, #tpu.memory_space<vmem_shared>>
        tpu.enqueue_indirect_dma source(%dma_start3A_405 : memref<10240x64xf32, #tpu.memory_space<vmem_shared>>) target(%dma_start3A_399 : memref<80x64xf32, #tpu.memory_space<vmem>>) offsets(%dma_start3A_402 : memref<80xi32, #tpu.memory_space<vmem>>) semaphore(%arg18 : memref<!tpu.dma_semaphore, #tpu.memory_space<semaphore_mem>>)
      } else {
      }
      %div3A_345 = arith.constant 25 : i32
      %div3A_346 = arith.divsi %add3A_279, %div3A_345 : i32
      %rem3A_347 = arith.constant 2 : i32
      %rem3A_348 = arith.remsi %div3A_346, %rem3A_347 : i32
      %rem3A_349 = arith.constant 25 : i32
      %rem3A_350 = arith.remsi %add3A_279, %rem3A_349 : i32
      %dma_start3A_351 = arith.constant 0 : i32
      %dma_start3A_352 = arith.constant 0 : i32
      %dma_start3A_353 = tpu.memref_slice %arg12[%rem3A_281, %dma_start3A_351, %dma_start3A_352] : memref<4x80x64xf32, #tpu.memory_space<vmem>> -> memref<1x80x64xf32, #tpu.memory_space<vmem>>
      %dma_start3A_354 = tpu.memref_squeeze %dma_start3A_353 : memref<1x80x64xf32, #tpu.memory_space<vmem>> -> memref<80x64xf32, #tpu.memory_space<vmem>>
      %dma_start3A_355 = arith.constant 0 : i32
      %dma_start3A_356 = tpu.memref_slice %arg11[%rem3A_348, %rem3A_350, %dma_start3A_355] : memref<2x25x80xi32, #tpu.memory_space<vmem>> -> memref<1x1x80xi32, #tpu.memory_space<vmem>>
      %dma_start3A_357 = tpu.memref_squeeze %dma_start3A_356 : memref<1x1x80xi32, #tpu.memory_space<vmem>> -> memref<80xi32, #tpu.memory_space<vmem>>
      %dma_start3A_358 = arith.constant 0 : i32
      %dma_start3A_359 = arith.constant 0 : i32
      %dma_start3A_360 = tpu.memref_slice %arg8[%dma_start3A_358, %dma_start3A_359] : memref<10240x64xf32, #tpu.memory_space<vmem_shared>> -> memref<10240x64xf32, #tpu.memory_space<vmem_shared>>
      tpu.enqueue_indirect_dma source(%dma_start3A_354 : memref<80x64xf32, #tpu.memory_space<vmem>>) target(%dma_start3A_360 : memref<10240x64xf32, #tpu.memory_space<vmem_shared>>) offsets(%dma_start3A_357 : memref<80xi32, #tpu.memory_space<vmem>>) semaphore(%arg20 : memref<!tpu.dma_semaphore, #tpu.memory_space<semaphore_mem>>) {add = true}
      %div3A_361 = arith.constant 25 : i32
      %div3A_362 = arith.divsi %add3A_279, %div3A_361 : i32
      %rem3A_363 = arith.constant 2 : i32
      %rem3A_364 = arith.remsi %div3A_362, %rem3A_363 : i32
      %rem3A_365 = arith.constant 25 : i32
      %rem3A_366 = arith.remsi %add3A_279, %rem3A_365 : i32
      %get3A_367 = arith.index_cast %rem3A_364 : i32 to index
      %get3A_368 = arith.index_cast %rem3A_366 : i32 to index
      %get3A_369 = arith.constant 0 : index
      %get3A_370 = tpu.vector_load %arg11[%get3A_367, %get3A_368, %get3A_369] {strides = array<i32>} : memref<2x25x80xi32, #tpu.memory_space<vmem>>, vector<16xi32>,
      tpu.vector_store_idx %arg14[%get3A_370], %broadcast_in_dim3A_43 {add = true} : memref<10240xf32, #tpu.memory_space<vmem>>[vector<16xi32>], vector<16xf32>,
      %get3A_371 = arith.index_cast %rem3A_364 : i32 to index
      %get3A_372 = arith.index_cast %rem3A_366 : i32 to index
      %get3A_373 = arith.constant 16 : index
      %get3A_374 = tpu.vector_load %arg11[%get3A_371, %get3A_372, %get3A_373] {strides = array<i32>} : memref<2x25x80xi32, #tpu.memory_space<vmem>>, vector<16xi32>,
      tpu.vector_store_idx %arg14[%get3A_374], %broadcast_in_dim3A_43 {add = true} : memref<10240xf32, #tpu.memory_space<vmem>>[vector<16xi32>], vector<16xf32>,
      %get3A_375 = arith.index_cast %rem3A_364 : i32 to index
      %get3A_376 = arith.index_cast %rem3A_366 : i32 to index
      %get3A_377 = arith.constant 32 : index
      %get3A_378 = tpu.vector_load %arg11[%get3A_375, %get3A_376, %get3A_377] {strides = array<i32>} : memref<2x25x80xi32, #tpu.memory_space<vmem>>, vector<16xi32>,
      tpu.vector_store_idx %arg14[%get3A_378], %broadcast_in_dim3A_43 {add = true} : memref<10240xf32, #tpu.memory_space<vmem>>[vector<16xi32>], vector<16xf32>,
      %get3A_379 = arith.index_cast %rem3A_364 : i32 to index
      %get3A_380 = arith.index_cast %rem3A_366 : i32 to index
      %get3A_381 = arith.constant 48 : index
      %get3A_382 = tpu.vector_load %arg11[%get3A_379, %get3A_380, %get3A_381] {strides = array<i32>} : memref<2x25x80xi32, #tpu.memory_space<vmem>>, vector<16xi32>,
      tpu.vector_store_idx %arg14[%get3A_382], %broadcast_in_dim3A_43 {add = true} : memref<10240xf32, #tpu.memory_space<vmem>>[vector<16xi32>], vector<16xf32>,
      %get3A_383 = arith.index_cast %rem3A_364 : i32 to index
      %get3A_384 = arith.index_cast %rem3A_366 : i32 to index
      %get3A_385 = arith.constant 64 : index
      %get3A_386 = tpu.vector_load %arg11[%get3A_383, %get3A_384, %get3A_385] {strides = array<i32>} : memref<2x25x80xi32, #tpu.memory_space<vmem>>, vector<16xi32>,
      tpu.vector_store_idx %arg14[%get3A_386], %broadcast_in_dim3A_43 {add = true} : memref<10240xf32, #tpu.memory_space<vmem>>[vector<16xi32>], vector<16xf32>,
      %scan3A_387 = arith.constant 0 : i32
      scf.yield %scan3A_387 : i32
    }
    %scan3A_120 = arith.constant 125 : i32
    %div3A_121 = arith.constant 248 : i32
    %div3A_122 = arith.constant 25 : i32
    %div3A_123 = arith.divsi %div3A_121, %div3A_122 : i32
    %rem3A_124 = arith.constant 2 : i32
    %rem3A_125 = arith.remsi %div3A_123, %rem3A_124 : i32
    %rem3A_126 = arith.constant 248 : i32
    %rem3A_127 = arith.constant 25 : i32
    %rem3A_128 = arith.remsi %rem3A_126, %rem3A_127 : i32
    %dma_wait3A = arith.constant 0 : i32
    %dma_wait3A_129 = arith.constant 0 : i32
    %dma_wait3A_130 = arith.constant 0 : i32
    %dma_wait3A_131 = tpu.memref_slice %arg12[%dma_wait3A, %dma_wait3A_129, %dma_wait3A_130] : memref<4x80x64xf32, #tpu.memory_space<vmem>> -> memref<1x80x64xf32, #tpu.memory_space<vmem>>
    %dma_wait3A_132 = tpu.memref_squeeze %dma_wait3A_131 : memref<1x80x64xf32, #tpu.memory_space<vmem>> -> memref<80x64xf32, #tpu.memory_space<vmem>>
    %dma_wait3A_133 = arith.constant 0 : i32
    %dma_wait3A_134 = tpu.memref_slice %arg11[%rem3A_125, %rem3A_128, %dma_wait3A_133] : memref<2x25x80xi32, #tpu.memory_space<vmem>> -> memref<1x1x80xi32, #tpu.memory_space<vmem>>
    %dma_wait3A_135 = tpu.memref_squeeze %dma_wait3A_134 : memref<1x1x80xi32, #tpu.memory_space<vmem>> -> memref<80xi32, #tpu.memory_space<vmem>>
    %dma_wait3A_136 = arith.constant 0 : i32
    %dma_wait3A_137 = arith.constant 0 : i32
    %dma_wait3A_138 = tpu.memref_slice %arg8[%dma_wait3A_136, %dma_wait3A_137] : memref<10240x64xf32, #tpu.memory_space<vmem_shared>> -> memref<10240x64xf32, #tpu.memory_space<vmem_shared>>
    tpu.wait_indirect_dma semaphore(%arg19 : memref<!tpu.dma_semaphore, #tpu.memory_space<semaphore_mem>>) src(%dma_wait3A_132 : memref<80x64xf32, #tpu.memory_space<vmem>>) dst(%dma_wait3A_138 : memref<10240x64xf32, #tpu.memory_space<vmem_shared>>)
    %div3A_139 = arith.constant 249 : i32
    %div3A_140 = arith.constant 25 : i32
    %div3A_141 = arith.divsi %div3A_139, %div3A_140 : i32
    %rem3A_142 = arith.constant 2 : i32
    %rem3A_143 = arith.remsi %div3A_141, %rem3A_142 : i32
    %rem3A_144 = arith.constant 249 : i32
    %rem3A_145 = arith.constant 25 : i32
    %rem3A_146 = arith.remsi %rem3A_144, %rem3A_145 : i32
    %dma_wait3A_147 = arith.constant 1 : i32
    %dma_wait3A_148 = arith.constant 0 : i32
    %dma_wait3A_149 = arith.constant 0 : i32
    %dma_wait3A_150 = tpu.memref_slice %arg12[%dma_wait3A_147, %dma_wait3A_148, %dma_wait3A_149] : memref<4x80x64xf32, #tpu.memory_space<vmem>> -> memref<1x80x64xf32, #tpu.memory_space<vmem>>
    %dma_wait3A_151 = tpu.memref_squeeze %dma_wait3A_150 : memref<1x80x64xf32, #tpu.memory_space<vmem>> -> memref<80x64xf32, #tpu.memory_space<vmem>>
    %dma_wait3A_152 = arith.constant 0 : i32
    %dma_wait3A_153 = tpu.memref_slice %arg11[%rem3A_143, %rem3A_146, %dma_wait3A_152] : memref<2x25x80xi32, #tpu.memory_space<vmem>> -> memref<1x1x80xi32, #tpu.memory_space<vmem>>
    %dma_wait3A_154 = tpu.memref_squeeze %dma_wait3A_153 : memref<1x1x80xi32, #tpu.memory_space<vmem>> -> memref<80xi32, #tpu.memory_space<vmem>>
    %dma_wait3A_155 = arith.constant 0 : i32
    %dma_wait3A_156 = arith.constant 0 : i32
    %dma_wait3A_157 = tpu.memref_slice %arg8[%dma_wait3A_155, %dma_wait3A_156] : memref<10240x64xf32, #tpu.memory_space<vmem_shared>> -> memref<10240x64xf32, #tpu.memory_space<vmem_shared>>
    tpu.wait_indirect_dma semaphore(%arg20 : memref<!tpu.dma_semaphore, #tpu.memory_space<semaphore_mem>>) src(%dma_wait3A_151 : memref<80x64xf32, #tpu.memory_space<vmem>>) dst(%dma_wait3A_157 : memref<10240x64xf32, #tpu.memory_space<vmem_shared>>)
    %scan3A_158 = arith.constant 0 : i32
    %scan3A_159 = arith.constant 0 : i32
    %scan3A_160 = arith.constant 20 : i32
    %scan3A_161 = arith.addi %scan3A_159, %scan3A_160 : i32
    %scan3A_162 = arith.constant 1 : i32
    %scan3A_163 = scf.for %scan3A_170 = %scan3A_159 to %scan3A_161 step %scan3A_162 iter_args(%scan3A_171 = %scan3A_158) -> (i32)  : i32 {
      %scan3A_172 = arith.constant 0 : i32
      %scan3A_173 = arith.constant 0 : i32
      %scan3A_174 = arith.constant 32 : i32
      %scan3A_175 = arith.addi %scan3A_173, %scan3A_174 : i32
      %scan3A_176 = arith.constant 1 : i32
      %scan3A_177 = scf.for %scan3A_180 = %scan3A_173 to %scan3A_175 step %scan3A_176 iter_args(%scan3A_181 = %scan3A_172) -> (i32)  : i32 {
        %mul3A_182 = arith.constant 512 : i32
        %mul3A_183 = arith.muli %mul3A_182, %scan3A_170 : i32
        %mul3A_184 = arith.constant 16 : i32
        %mul3A_185 = arith.muli %mul3A_184, %scan3A_180 : i32
        %add3A = arith.addi %mul3A_183, %mul3A_185 : i32
        %get3A = arith.index_cast %add3A : i32 to index
        %get3A_186 = tpu.vector_load %arg14[%get3A] {strides = array<i32>} : memref<10240xf32, #tpu.memory_space<vmem>>, vector<16xf32>,
        %swap3A = arith.index_cast %scan3A_180 : i32 to index
        %swap3A_187 = arith.constant 0 : index
        %swap3A_188 = tpu.vector_load %arg15[%swap3A, %swap3A_187] {strides = array<i32>} : memref<32x16xf32, #tpu.memory_space<vmem>>, vector<16xf32>,
        tpu.vector_store %arg15[%swap3A, %swap3A_187], %get3A_186 {strides = array<i32>} : memref<32x16xf32, #tpu.memory_space<vmem>>, vector<16xf32>,
        %scan3A_189 = arith.constant 0 : i32
        scf.yield %scan3A_189 : i32
      }
      %scan3A_178 = arith.constant 32 : i32
      "tpu.region"() ({
        %run_scoped3A_180 = tpu.sem_alloc : memref<!tpu.dma_semaphore, #tpu.memory_space<semaphore_mem>>
        %dma_start3A_181 = arith.constant 0 : i32
        %dma_start3A_182 = tpu.memref_slice %arg16[%scan3A_170, %dma_start3A_181] : memref<20x32xi32, #tpu.memory_space<vmem>> -> memref<1x32xi32, #tpu.memory_space<vmem>>
        %dma_start3A_183 = tpu.memref_squeeze %dma_start3A_182 : memref<1x32xi32, #tpu.memory_space<vmem>> -> memref<32xi32, #tpu.memory_space<vmem>>
        %dma_start3A_184 = arith.constant 0 : i32
        %dma_start3A_185 = arith.constant 0 : i32
        %dma_start3A_186 = tpu.memref_slice %arg9[%dma_start3A_184, %dma_start3A_185] : memref<640x16xf32, #tpu.memory_space<vmem_shared>> -> memref<640x16xf32, #tpu.memory_space<vmem_shared>>
        tpu.enqueue_indirect_dma source(%arg15 : memref<32x16xf32, #tpu.memory_space<vmem>>) target(%dma_start3A_186 : memref<640x16xf32, #tpu.memory_space<vmem_shared>>) offsets(%dma_start3A_183 : memref<32xi32, #tpu.memory_space<vmem>>) semaphore(%run_scoped3A_180 : memref<!tpu.dma_semaphore, #tpu.memory_space<semaphore_mem>>) {add = true}
        %dma_wait3A_187 = arith.constant 0 : i32
        %dma_wait3A_188 = tpu.memref_slice %arg16[%scan3A_170, %dma_wait3A_187] : memref<20x32xi32, #tpu.memory_space<vmem>> -> memref<1x32xi32, #tpu.memory_space<vmem>>
        %dma_wait3A_189 = tpu.memref_squeeze %dma_wait3A_188 : memref<1x32xi32, #tpu.memory_space<vmem>> -> memref<32xi32, #tpu.memory_space<vmem>>
        %dma_wait3A_190 = arith.constant 0 : i32
        %dma_wait3A_191 = arith.constant 0 : i32
        %dma_wait3A_192 = tpu.memref_slice %arg9[%dma_wait3A_190, %dma_wait3A_191] : memref<640x16xf32, #tpu.memory_space<vmem_shared>> -> memref<640x16xf32, #tpu.memory_space<vmem_shared>>
        tpu.wait_indirect_dma semaphore(%run_scoped3A_180 : memref<!tpu.dma_semaphore, #tpu.memory_space<semaphore_mem>>) src(%arg15 : memref<32x16xf32, #tpu.memory_space<vmem>>) dst(%dma_wait3A_192 : memref<640x16xf32, #tpu.memory_space<vmem_shared>>)
        tpu.yield
      }) : () -> ()
      %scan3A_179 = arith.constant 0 : i32
      scf.yield %scan3A_179 : i32
    }
    %scan3A_164 = arith.constant 20 : i32
    %barrier3A_165 = arith.constant 0 : index
    tpu.barrier barrier_id(%barrier3A_165)
    %mul3A_166 = arith.constant 64 : i32
    %mul3A_167 = arith.muli %arg0, %mul3A_166 : i32
    "tpu.region"() ({
      %run_scoped3A_170 = tpu.sem_alloc : memref<!tpu.dma_semaphore, #tpu.memory_space<semaphore_mem>>
      %dma_start3A_171 = tpu.memref_slice %arg5[%mul3A_0, %mul3A_167] : memref<10240x128xf32, #tpu.memory_space<hbm>> -> memref<640x64xf32, #tpu.memory_space<hbm>>
      %dma_start3A_172 = arith.constant 0 : i32
      %dma_start3A_173 = tpu.memref_slice %arg8[%mul3A_0, %dma_start3A_172] : memref<10240x64xf32, #tpu.memory_space<vmem_shared>> -> memref<640x64xf32, #tpu.memory_space<vmem_shared>>
      tpu.enqueue_dma source(%dma_start3A_173 : memref<640x64xf32, #tpu.memory_space<vmem_shared>>) target(%dma_start3A_171 : memref<640x64xf32, #tpu.memory_space<hbm>>) target_semaphore(%run_scoped3A_170 : memref<!tpu.dma_semaphore, #tpu.memory_space<semaphore_mem>>)
      %dma_wait3A_174 = tpu.memref_slice %arg5[%mul3A_0, %mul3A_167] : memref<10240x128xf32, #tpu.memory_space<hbm>> -> memref<640x64xf32, #tpu.memory_space<hbm>>
      %dma_wait3A_175 = arith.constant 0 : i32
      %dma_wait3A_176 = tpu.memref_slice %arg8[%mul3A_0, %dma_wait3A_175] : memref<10240x64xf32, #tpu.memory_space<vmem_shared>> -> memref<640x64xf32, #tpu.memory_space<vmem_shared>>
      tpu.wait_dma2 semaphore(%run_scoped3A_170 : memref<!tpu.dma_semaphore, #tpu.memory_space<semaphore_mem>>) src(%dma_wait3A_176 : memref<640x64xf32, #tpu.memory_space<vmem_shared>>) dst(%dma_wait3A_174 : memref<640x64xf32, #tpu.memory_space<hbm>>)
      tpu.yield
    }) : () -> ()
    %eq3A = arith.constant 0 : i32
    %eq3A_168 = arith.cmpi eq, %arg0, %eq3A : i32
    %convert_element_type3A = arith.extui %eq3A_168 : i1 to i32
    %cond3A = arith.constant 0 : i32
    %cond3A_169 = arith.cmpi ne, %convert_element_type3A, %cond3A : i32
    scf.if %cond3A_169 {
      %mul3A_170 = arith.constant 40 : i32
      %mul3A_171 = arith.muli %arg1, %mul3A_170 : i32
      %mul3A_172 = arith.constant 40 : i32
      %mul3A_173 = arith.muli %arg1, %mul3A_172 : i32
      "tpu.region"() ({
        %run_scoped3A_174 = tpu.sem_alloc : memref<!tpu.dma_semaphore, #tpu.memory_space<semaphore_mem>>
        %dma_start3A_175 = arith.constant 0 : i32
        %dma_start3A_176 = tpu.memref_slice %arg6[%mul3A_173, %dma_start3A_175] : memref<640x16xf32, #tpu.memory_space<hbm>> -> memref<40x16xf32, #tpu.memory_space<hbm>>
        %dma_start3A_177 = arith.constant 0 : i32
        %dma_start3A_178 = tpu.memref_slice %arg9[%mul3A_171, %dma_start3A_177] : memref<640x16xf32, #tpu.memory_space<vmem_shared>> -> memref<40x16xf32, #tpu.memory_space<vmem_shared>>
        tpu.enqueue_dma source(%dma_start3A_178 : memref<40x16xf32, #tpu.memory_space<vmem_shared>>) target(%dma_start3A_176 : memref<40x16xf32, #tpu.memory_space<hbm>>) target_semaphore(%run_scoped3A_174 : memref<!tpu.dma_semaphore, #tpu.memory_space<semaphore_mem>>)
        %dma_wait3A_179 = arith.constant 0 : i32
        %dma_wait3A_180 = tpu.memref_slice %arg6[%mul3A_173, %dma_wait3A_179] : memref<640x16xf32, #tpu.memory_space<hbm>> -> memref<40x16xf32, #tpu.memory_space<hbm>>
        %dma_wait3A_181 = arith.constant 0 : i32
        %dma_wait3A_182 = tpu.memref_slice %arg9[%mul3A_171, %dma_wait3A_181] : memref<640x16xf32, #tpu.memory_space<vmem_shared>> -> memref<40x16xf32, #tpu.memory_space<vmem_shared>>
        tpu.wait_dma2 semaphore(%run_scoped3A_174 : memref<!tpu.dma_semaphore, #tpu.memory_space<semaphore_mem>>) src(%dma_wait3A_182 : memref<40x16xf32, #tpu.memory_space<vmem_shared>>) dst(%dma_wait3A_180 : memref<40x16xf32, #tpu.memory_space<hbm>>)
        tpu.yield
      }) : () -> ()
    } else {
    }
    return
  }
}

module attributes {stable_mosaic.version = 14 : i64} {
  func.func @_tc1_body(%arg0: i32, %arg1: memref<1000x128xf32, #tpu.memory_space<vmem>>, %arg2: memref<128x128xf32, #tpu.memory_space<vmem>>, %arg3: memref<1x128xf32, #tpu.memory_space<vmem>>, %arg4: memref<1000x128xf32, #tpu.memory_space<vmem>>) attributes {dimension_semantics = [#tpu.dimension_semantics<arbitrary>], iteration_bounds = array<i64: 10>, scalar_prefetch = 0 : i64, scratch_operands = 0 : i64, tpu.core_type = #tpu.core_type<tc>, window_params = [{transform_indices = @transform_0, window_bounds = array<i64: 1000, 128>}, {pipeline_mode = #tpu.pipeline_mode<synchronous>, transform_indices = @transform_1, window_bounds = array<i64: 128, 128>}, {pipeline_mode = #tpu.pipeline_mode<synchronous>, transform_indices = @transform_2, window_bounds = array<i64: 1, 128>}, {transform_indices = @transform_3, window_bounds = array<i64: 1000, 128>}]} {
    %get3A = arith.constant 0 : index
    %get3A_0 = arith.constant 0 : index
    %get3A_1 = vector.load %arg1[%get3A, %get3A_0] : memref<1000x128xf32, #tpu.memory_space<vmem>>, vector<1000x128xf32>
    %get3A_2 = arith.constant 0 : index
    %get3A_3 = arith.constant 0 : index
    %get3A_4 = vector.load %arg2[%get3A_2, %get3A_3] : memref<128x128xf32, #tpu.memory_space<vmem>>, vector<128x128xf32>
    %dot_general3A = arith.constant dense<0.000000e+00> : vector<1000x128xf32>
    %dot_general3A_5 = tpu.matmul %get3A_1, %get3A_4, %dot_general3A {dimension_numbers = #tpu.dot_dimension_numbers<[1], [0], [0], [1], [0, 0, 1, 1], [], []>, transpose_lhs_hint = false} : vector<1000x128xf32>, vector<128x128xf32>, vector<1000x128xf32> -> vector<1000x128xf32>
    %get3A_6 = arith.constant 0 : index
    %get3A_7 = arith.constant 0 : index
    %get3A_8 = vector.load %arg3[%get3A_6, %get3A_7] : memref<1x128xf32, #tpu.memory_space<vmem>>, vector<1x128xf32>
    %add3A = vector.broadcast %get3A_8 : vector<1x128xf32> to vector<1000x128xf32>
    %add3A_9 = arith.addf %dot_general3A_5, %add3A : vector<1000x128xf32>
    %swap3A = arith.constant 0 : index
    %swap3A_10 = arith.constant 0 : index
    %swap3A_11 = vector.load %arg4[%swap3A, %swap3A_10] : memref<1000x128xf32, #tpu.memory_space<vmem>>, vector<1000x128xf32>
    tpu.vector_store %arg4[%swap3A, %swap3A_10], %add3A_9 {strides = array<i32>} : memref<1000x128xf32, #tpu.memory_space<vmem>>, vector<1000x128xf32>,
    return
  }
  func.func @transform_0(%arg0: i32) -> (i32, i32) {
    %c0_i32 = arith.constant 0 : i32
    %c0_i32_0 = arith.constant 0 : i32
    return %arg0, %c0_i32 : i32, i32
  }
  func.func @transform_1(%arg0: i32) -> (i32, i32) {
    %c0_i32 = arith.constant 0 : i32
    %c0_i32_0 = arith.constant 0 : i32
    %c0_i32_1 = arith.constant 0 : i32
    return %c0_i32, %c0_i32_0 : i32, i32
  }
  func.func @transform_2(%arg0: i32) -> (i32, i32) {
    %c0_i32 = arith.constant 0 : i32
    %c0_i32_0 = arith.constant 0 : i32
    %c0_i32_1 = arith.constant 0 : i32
    return %c0_i32, %c0_i32_0 : i32, i32
  }
  func.func @transform_3(%arg0: i32) -> (i32, i32) {
    %c0_i32 = arith.constant 0 : i32
    %c0_i32_0 = arith.constant 0 : i32
    return %arg0, %c0_i32 : i32, i32
  }
}

module attributes {stable_mosaic.version = 14 : i64} {
  func.func @_tc2_body(%arg0: i32, %arg1: memref<1000x128xf32, #tpu.memory_space<vmem>>, %arg2: memref<1000x128xf32, #tpu.memory_space<vmem>>, %arg3: memref<1000x1xf32, #tpu.memory_space<vmem>>, %arg4: memref<128x128xf32, #tpu.memory_space<vmem>>, %arg5: memref<1000x128xf32, #tpu.memory_space<vmem>>) attributes {dimension_semantics = [#tpu.dimension_semantics<arbitrary>], iteration_bounds = array<i64: 10>, scalar_prefetch = 0 : i64, scratch_operands = 0 : i64, tpu.core_type = #tpu.core_type<tc>, window_params = [{transform_indices = @transform_0, window_bounds = array<i64: 1000, 128>}, {transform_indices = @transform_1, window_bounds = array<i64: 1000, 128>}, {transform_indices = @transform_2, window_bounds = array<i64: 1000, 1>}, {pipeline_mode = #tpu.pipeline_mode<synchronous>, transform_indices = @transform_3, window_bounds = array<i64: 128, 128>}, {transform_indices = @transform_4, window_bounds = array<i64: 1000, 128>}]} {
    %get3A = arith.constant 0 : index
    %get3A_0 = arith.constant 0 : index
    %get3A_1 = vector.load %arg3[%get3A, %get3A_0] : memref<1000x1xf32, #tpu.memory_space<vmem>>, vector<1000x1xf32>
    %max3A = arith.constant 1.000000e+00 : f32
    %max3A_2 = vector.broadcast %max3A : f32 to vector<1000x1xf32>
    %max3A_3 = arith.maximumf %get3A_1, %max3A_2 : vector<1000x1xf32>
    %div3A = arith.constant 1.000000e+00 : f32
    %div3A_4 = vector.broadcast %div3A : f32 to vector<1000x1xf32>
    %div3A_5 = arith.divf %div3A_4, %max3A_3 : vector<1000x1xf32>
    %get3A_6 = arith.constant 0 : index
    %get3A_7 = arith.constant 0 : index
    %get3A_8 = vector.load %arg1[%get3A_6, %get3A_7] : memref<1000x128xf32, #tpu.memory_space<vmem>>, vector<1000x128xf32>
    %get3A_9 = arith.constant 0 : index
    %get3A_10 = arith.constant 0 : index
    %get3A_11 = vector.load %arg2[%get3A_9, %get3A_10] : memref<1000x128xf32, #tpu.memory_space<vmem>>, vector<1000x128xf32>
    %mul3A = vector.broadcast %div3A_5 : vector<1000x1xf32> to vector<1000x128xf32>
    %mul3A_12 = arith.mulf %get3A_11, %mul3A : vector<1000x128xf32>
    %get3A_13 = arith.constant 0 : index
    %get3A_14 = arith.constant 0 : index
    %get3A_15 = vector.load %arg4[%get3A_13, %get3A_14] : memref<128x128xf32, #tpu.memory_space<vmem>>, vector<128x128xf32>
    %dot_general3A = arith.constant dense<0.000000e+00> : vector<1000x128xf32>
    %dot_general3A_16 = tpu.matmul %mul3A_12, %get3A_15, %dot_general3A {dimension_numbers = #tpu.dot_dimension_numbers<[1], [0], [0], [1], [0, 0, 1, 1], [], []>, transpose_lhs_hint = false} : vector<1000x128xf32>, vector<128x128xf32>, vector<1000x128xf32> -> vector<1000x128xf32>
    %add3A = arith.addf %get3A_8, %dot_general3A_16 : vector<1000x128xf32>
    %swap3A = arith.constant 0 : index
    %swap3A_17 = arith.constant 0 : index
    %swap3A_18 = vector.load %arg5[%swap3A, %swap3A_17] : memref<1000x128xf32, #tpu.memory_space<vmem>>, vector<1000x128xf32>
    tpu.vector_store %arg5[%swap3A, %swap3A_17], %add3A {strides = array<i32>} : memref<1000x128xf32, #tpu.memory_space<vmem>>, vector<1000x128xf32>,
    return
  }
  func.func @transform_0(%arg0: i32) -> (i32, i32) {
    %c0_i32 = arith.constant 0 : i32
    %c0_i32_0 = arith.constant 0 : i32
    return %arg0, %c0_i32 : i32, i32
  }
  func.func @transform_1(%arg0: i32) -> (i32, i32) {
    %c0_i32 = arith.constant 0 : i32
    %c0_i32_0 = arith.constant 0 : i32
    return %arg0, %c0_i32 : i32, i32
  }
  func.func @transform_2(%arg0: i32) -> (i32, i32) {
    %c0_i32 = arith.constant 0 : i32
    %c0_i32_0 = arith.constant 0 : i32
    return %arg0, %c0_i32 : i32, i32
  }
  func.func @transform_3(%arg0: i32) -> (i32, i32) {
    %c0_i32 = arith.constant 0 : i32
    %c0_i32_0 = arith.constant 0 : i32
    %c0_i32_1 = arith.constant 0 : i32
    return %c0_i32, %c0_i32_0 : i32, i32
  }
  func.func @transform_4(%arg0: i32) -> (i32, i32) {
    %c0_i32 = arith.constant 0 : i32
    %c0_i32_0 = arith.constant 0 : i32
    return %arg0, %c0_i32 : i32, i32
  }
}

</mosaic_0001>

<sc_bundles>
// kernel: kernel.5.cloned.1.call-start
scs
__scs_entry_jumppad:
0x0: {  	(pc) =	sbr.rel $0x88, $3  }
0x1: {  	(tag) =	ssettag $0x0;
	lr =	simm.s32 $0x1  }
0x2: {  	[smem:$0x3F9D] =	sst lr;
	_ =	strace $0xD0000000  }
0x3: {  	_ = 	snop  }
0x4: {  	_ = 	snop  }
0x5: {  	_ = 	snop  }
0x6: {  	_ = 	snop  }
0x7: {  	_ = 	snop  }
__scs_overlays_trampoline_lowered:
0x8: {  	[smem:$0x3FAC] =	sst s0  }
0x9: {  	[smem:$0x3FAD] =	sst s1  }
0xa: {  	[smem:$0x3FAE] =	sst s2  }
0xb: {  	[smem:$0x3FAF] =	sst s3  }
0xc: {  	[smem:$0x3FB0] =	sst s4  }
0xd: {  	[smem:$0x3FB1] =	sst s5  }
0xe: {  	[smem:$0x3FB2] =	sst s6  }
0xf: {  	[smem:$0x3FB3] =	sst s7  }
0x10: {  	[smem:$0x3FB4] =	sst s8  }
0x11: {  	[smem:$0x3FB5] =	sst s9;
	s0 =	simm.s32 @!p0 $0x0  }
0x12: {  	s1 =	sld [smem:$0x3F9B];
	s0 =	simm.s32 @p0 $0x1  }
0x13: {  	[smem:$0x3FB6] =	sst s0;
	s0 =	simm.s32 @!p1 $0x0  }
0x14: {  	s2 =	sld [smem:$0x3F9A];
	s0 =	simm.s32 @p1 $0x1  }
0x15: {  	[smem:$0x3FB7] =	sst s0;
	s0 =	simm.s32 @!p2 $0x0  }
0x16: {  	s3 =	sld [smem:$0x3FDB];
	s0 =	simm.s32 @p2 $0x1  }
0x17: {  	s4 =	simm.s32 $0x1BF5;
	[smem:$0x3FB9] =	sst s0  }
0x18: {  	s0 =	sld [smem:$0x3F9C];
	_ =	swait.ge [sflag:s4], $0x0  }
0x19: {  	s7 =	sld [smem:$0x3F9D]  }
0x1a: {  	s8 =	sadd.s32 $0xFFFFE003, lr  }
0x1b: {  	s9 =	sadd.s32 $0xFFFFFEF7, lr;
	s5 =	simm.s32 $0xFFFFFFFF;
	p2 =	slt.u32 s8, $0xFFFFF086  }
0x1c: {  	p1 =	slt.u32 s9, $0xF7A;
	s5 =	simm.s32 @!p2 $0x0  }
0x1d: {  	s5 =	simm.s32 @p1 $0x1;
	p0 =	seq.s32 s7, s2  }
0x1e: {  	s7 =	smul.u32 @!p0 $0xF7A, s2;
	p2 =	seq.s32 @!p0 s5, $0x0  }
0x1f: {  	s9 =	smul.u32 $0xF7A, s1;
	s8 =	simm.s32 @!p0 $0x1BF5;
	p2 =	por !p2, p0  }
0x20: {  	[sflag:s8] =	ssyncset.s32 @!p0 $0xFFFFF086;
	s6 =	sadd.s32 @!p0 s3, s7;
	s7 =	simm.s32 @!p0 $0x108  }
0x21: {  	s3 =	sadd.s32 s3, s9;
	s6 =	sadd.s32 @!p0 $0x88, s6;
	s7 =	simm.s32 @p2 $0x1082  }
0x22: {  	[simem:s7], [sflag:s8] =	dma.local @!p0 [hbm:s6], $0xF7A  }
0x23: {  	s9 =	sor.u32 $0xD0000000, s2;
	s6 =	simm.s32 $0x108;
	_ =	swait.ge @!p0 [sflag:s8], $0x0  }
0x24: {  	s3 =	sadd.s32 $0x88, s3;
	s6 =	simm.s32 @!p1 $0x1082;
	[sflag:s4] =	ssyncset.s32 $0xFFFFF086  }
0x25: {  	[simem:s6], [sflag:s4] =	dma.local [hbm:s3], $0xF7A  }
0x26: {  	[smem:$0x3F9D] =	sst s1;
	(tag) =	ssettag s2;
	_ =	strace s9  }
0x27: {  	s1 =	sld [smem:$0x3FAD]  }
0x28: {  	s2 =	sld [smem:$0x3FAE]  }
0x29: {  	s4 =	sld [smem:$0x3FB0]  }
0x2a: {  	p0 =	seq.s32 s5, $0x0;
	s5 =	sld [smem:$0x3FB1]  }
0x2b: {  	s6 =	sld [smem:$0x3FB2]  }
0x2c: {  	s7 =	sld [smem:$0x3FB3]  }
0x2d: {  	s3 =	simm.s32 $0x108;
	s8 =	sld [smem:$0x3FB4]  }
0x2e: {  	s3 =	simm.s32 @!p0 $0x1082;
	s9 =	sld [smem:$0x3FB5]  }
0x2f: {  	lr =	sadd.s32 s0, s3;
	s0 =	sld [smem:$0x3FAC]  }
0x30: {  	s3 =	sld [smem:$0x3FAF]  }
0x31: {  	[smem:$0x3FB8] =	sst s10  }
0x32: {  	s10 =	sld [smem:$0x3FB6];
	_ =	sdelay $0x3  }
0x33: {  	p0 =	seq.s32 s10, $0x1;
	s10 =	sld [smem:$0x3FB8];
	_ =	sdelay $0x3  }
0x34: {  	[smem:$0x3FB8] =	sst s10  }
0x35: {  	s10 =	sld [smem:$0x3FB7];
	_ =	sdelay $0x3  }
0x36: {  	p1 =	seq.s32 s10, $0x1;
	s10 =	sld [smem:$0x3FB8];
	_ =	sdelay $0x3  }
0x37: {  	[smem:$0x3FB8] =	sst s10  }
0x38: {  	s10 =	sld [smem:$0x3FB9]  }
0x39: {  	_ = 	snop;
	(pc) =	sbr.ind lr, $3  }
0x3a: {  	_ = 	snop  }
0x3b: {  	_ = 	snop  }
0x3c: {  	p2 =	seq.s32 s10, $0x1;
	s10 =	sld [smem:$0x3FB8]  }
0x3d: {  	_ =	shalt  }
0x3e: {  	_ =	shalt  }
0x3f: {  	_ =	shalt  }
0x40: {  	_ =	shalt  }
0x41: {  	_ =	shalt  }
0x42: {  	_ =	shalt  }
0x43: {  	_ =	shalt  }
0x44: {  	_ =	shalt  }
0x45: {  	_ =	shalt  }
0x46: {  	_ =	shalt  }
0x47: {  	_ =	shalt  }
0x48: {  	_ =	shalt  }
0x49: {  	_ =	shalt  }
0x4a: {  	_ =	shalt  }
0x4b: {  	_ =	shalt  }
0x4c: {  	_ =	shalt  }
0x4d: {  	_ =	shalt  }
0x4e: {  	_ =	shalt  }
0x4f: {  	_ =	shalt  }
0x50: {  	_ =	shalt  }
0x51: {  	_ =	shalt  }
0x52: {  	_ =	shalt  }
0x53: {  	_ =	shalt  }
0x54: {  	_ =	shalt  }
0x55: {  	_ =	shalt  }
0x56: {  	_ =	shalt  }
0x57: {  	_ =	shalt  }
0x58: {  	_ =	shalt  }
0x59: {  	_ =	shalt  }
0x5a: {  	_ =	shalt  }
0x5b: {  	_ =	shalt  }
0x5c: {  	_ =	shalt  }
0x5d: {  	_ =	shalt  }
0x5e: {  	_ =	shalt  }
0x5f: {  	_ =	shalt  }
0x60: {  	_ =	shalt  }
0x61: {  	_ =	shalt  }
0x62: {  	_ =	shalt  }
0x63: {  	_ =	shalt  }
0x64: {  	_ =	shalt  }
0x65: {  	_ =	shalt  }
0x66: {  	_ =	shalt  }
0x67: {  	_ =	shalt  }
0x68: {  	_ =	shalt  }
0x69: {  	_ =	shalt  }
0x6a: {  	_ =	shalt  }
0x6b: {  	_ =	shalt  }
0x6c: {  	_ =	shalt  }
0x6d: {  	_ =	shalt  }
0x6e: {  	_ =	shalt  }
0x6f: {  	_ =	shalt  }
0x70: {  	_ =	shalt  }
0x71: {  	_ =	shalt  }
0x72: {  	_ =	shalt  }
0x73: {  	_ =	shalt  }
0x74: {  	_ =	shalt  }
0x75: {  	_ =	shalt  }
0x76: {  	_ =	shalt  }
0x77: {  	_ =	shalt  }
0x78: {  	_ =	shalt  }
0x79: {  	_ =	shalt  }
0x7a: {  	_ =	shalt  }
0x7b: {  	_ =	shalt  }
0x7c: {  	_ =	shalt  }
0x7d: {  	_ =	shalt  }
0x7e: {  	_ =	shalt  }
0x7f: {  	_ =	shalt  }
0x80: {  	_ =	shalt  }
0x81: {  	_ =	shalt  }
0x82: {  	_ =	shalt  }
0x83: {  	_ =	shalt  }
0x84: {  	_ =	shalt  }
0x85: {  	_ =	shalt  }
0x86: {  	_ =	shalt  }
0x87: {  	_ =	shalt  }
.Lfunc_end0:
.L_simem_size_0:
called_computation_lowered:
.L_overlay_start_0:
0x88: {  	s2 =	sld [smem:$0x3FD9]  }
0x89: {  	s3 =	sld [smem:$0x3FFE];
	_ =	sdelay $0x1  }
0x8a: {  	s1 =	srdreg.scid  }
0x8b: {  	s0 =	sand.u32 $0x1, s1  }
0x8c: {  	s17 =	sshll.u32 s0, $0xA;
	s2 =	sadd.s32 s3, s2  }
0x8d: {  	s2 =	sadd.s32 s2, s17  }
0x8e: {  	[smem:$0x3FC4] =	sst s2  }
0x8f: {  	_ = 	snop  }
0x90: {  	s2 =	sld [smem:$0x3FC9]  }
0x91: {  	s18 =	sld [smem:$0x3FD0];
	(tm) =	ssettm $0x1  }
0x92: {  	s4 =	sld [smem:$0x3FFB];
	_ =	sdelay $0x3  }
0x93: {  	_ =	strace s4  }
0x94: {  	s4 =	sld [smem:$0x3FFC];
	_ =	sdelay $0x3  }
0x95: {  	_ =	strace s4  }
0x96: {  	s4 =	sld [smem:$0x3FFD];
	_ =	sdelay $0x3  }
0x97: {  	_ =	strace s4  }
0x98: {  	_ =	strace $0x8FFFFFFF  }
0x99: {  	s19 =	sld [smem:$0x3FDB];
	_ =	sdelay $0x1  }
0x9a: {  	s5 =	simm.s32 $_scs_section_size  }
0x9b: {  	s6 =	simm.s32 $_size__tile_overlayer_lowered;
	s7 =	simm.s32 $_tile_overlayer_lowered  }
0x9c: {  	s22 =	simm.s32 $0x1BFF;
	s21 =	sshll.u32 s7, $0x1;
	s4 =	sadd.s32 s5, s19  }
0x9d: {  	s8 =	simm.s32 $0x0;
	s20 =	sshll.u32 s6, $0x1;
	s6 =	sadd.s32 s21, s4  }
0x9e: {  	[timem:s8], [sflag:s22] =	dma.local [hbm:s6], s20  }
0x9f: {  	_ =	swait.ge [sflag:s22], s20  }
0xa0: {  	s5 =	ssub.s32 $0x0, s20;
	[sflag:s22] =	ssyncset.done $0x0  }
0xa1: {  	[sflag:s22] =	ssyncadd.s32 s5;
	_ =	sdelay $0x1  }
0xa2: {  	s23 =	simm.s32 $0x1B8B  }
0xa3: {  	_ =	swait.ge [sflag:s23], $0x1  }
0xa4: {  	[sflag:s23] =	ssyncset.done $0x0  }
0xa5: {  	s25 =	simm.s32 $0x1B8E;
	s24 =	sld [smem:$0x3FFE];
	[sflag:s23] =	ssyncadd.s32 $0xFFFFFFFF  }
0xa6: {  	s26 =	simm.s32 $execute0_lowered;
	[smem:$0x3FD2] =	sst s25  }
0xa7: {  	s6 =	sshll.u32 s26, $0x1;
	_ =	strace $0x80000046;
	[dreg:$0x1] =	wrdreg $0xFFFFFFFF  }
0xa8: {  	s28 =	simm.s32 $_size_execute0_lowered;
	s4 =	sadd.s32 s4, s6;
	[dreg:$0x0] =	wrdreg $0x0  }
0xa9: {  	s6 =	sshll.u32 s28, $0x1;
	[dreg:$0x2] =	wrdreg s4  }
0xaa: {  	[dreg:$0x3] =	wrdreg s6  }
0xab: {  	[dreg:$0x4] =	wrdreg $0xC0  }
0xac: {  	_ =	task [dreg:s8], $0x5FFFF  }
0xad: {  	[dreg:$0x1] =	wrdreg $0xFFFFFFFF  }
0xae: {  	[dreg:$0x0] =	wrdreg $0x60  }
0xaf: {  	[dreg:$0x2] =	wrdreg s2  }
0xb0: {  	[dreg:$0x3] =	wrdreg s24  }
0xb1: {  	[dreg:$0x4] =	wrdreg s18  }
0xb2: {  	[dreg:$0x5] =	wrdreg $0x0  }
0xb3: {  	[dreg:$0x6] =	wrdreg $0xA0000  }
0xb4: {  	[dreg:$0x7] =	wrdreg $0x140000  }
0xb5: {  	[dreg:$0x8] =	wrdreg $0x9  }
0xb6: {  	_ =	task.clear_ibuf [dreg:s8], $0x9FFFF;
	_ =	strace $0x90000046  }
0xb7: {  	s29 =	simm.s32 $0x9;
	_ =	strace $0x80000048  }
0xb8: {  	_ =	swait.ge [sflag:s29], $0x1  }
0xb9: {  	[sflag:s29] =	ssyncadd.s32 $0xFFFFFFFF  }
0xba: {  	_ =	strace $0x90000048  }
0xbb: {  	_ =	sfence  }
0xbc: {  	s30 =	sld [smem:$0x0];
	_ =	sdelay $0x2  }
0xbd: {  	s31 =	sshll.u32 s1, $0xD;
	s1 =	sshrl.u32 s1, $0x2  }
0xbe: {  	s3 =	sand.u32 $0x4000, s31;
	s1 =	sadd.s32 s1, s30  }
0xbf: {  	s0 =	sor.u32 s3, s0;
	s1 =	sshll.u32 s1, $0x11  }
0xc0: {  	s0 =	sor.u32 s1, s0  }
0xc1: {  	s0 =	sadd.s32 $0x8F2B, s0  }
0xc2: {  	[sflag:s0] =	ssyncadd.remote.s32 $0x1  }
0xc3: {  	_ =	sfence.sel $0xFFFF  }
0xc4: {  	[dreg:$0x0] =	wrdreg $0xFFFFFFFF;
	(pc) =	sbr.abs _section_cstart, $3  }
0xc5: {  	[dreg:$0x1] =	wrdreg $0xFFFFFFFF  }
0xc6: {  	_ =	task.clear_ibuf [dreg:s8], $0x2FFFF;
	_ =	strace $0x9FFFFFFF  }
0xc7: {  	(tm) =	ssettm $0x7FFFFFFF  }
tec
execute0_lowered:
.L_overlay_start_1:
0x0: {  	(tag) =	ssettag $0x1  }
0x1: {  	s0 =	rddreg [dreg:$0x0]  }
0x2: {  	s3 =	rddreg [dreg:$0x1]  }
0x3: {  	s6 =	rddreg [dreg:$0x2]  }
0x4: {  	s1 =	rddreg [dreg:$0x3]  }
0x5: {  	s2 =	rddreg [dreg:$0x4];
	s18 =	stileid.u32  }
0x6: {  	s4 =	rddreg [dreg:$0x5];
	s5 =	simm.s32 $0x0;
	s22 =	smul.u32 $0x14000, s18  }
0x7: {  	s7 =	srdreg.scid;
	s31 =	simm.s32 $0x50;
	s9 =	smul.u32 $0x280, s18  }
0x8: {  	s29 =	simm.s32 $0x1B5C0;
	s30 =	simm.s32 $0x2;
	s13 =	smul.u32 $0x13880, s18  }
0x9: {  	s28 =	simm.s32 $0x20;
	[smem:$0x7FF] =	sst s5;
	s16 =	smul.u32 $0x27100, s18  }
0xa: {  	s12 =	sand.u32 $0x1, s7;
	s10 =	sadd.s32 $0x1000, s3;
	s25 =	smul.u32 $0x28000, s18  }
0xb: {  	s26 =	smul.u32 $0x4E20, s18;
	_ =	strace $0x80000047;
	s8 =	sshll.u32 s12, $0x6  }
0xc: {  	s11 =	ssub.s32 $0x2, s12;
	p0 =	sne.s32 s12, $0x0;
	s7 =	sor.u32 s8, s22  }
0xd: {  	s14 =	sshrl.u32 s9, $0x3;
	s15 =	sshrl.u32 s11, $0x1;
	s23 =	sor.u32 s8, s13  }
0xe: {  	s24 =	sshrl.u32 s16, $0x2;
	s8 =	sshll.u32 s18, $0x6;
	s13 =	sshrl.u32 s25, $0x2  }
0xf: {  	s16 =	sshrl.u32 s26, $0x3;
	s9 =	sadd.s32 s9, s4;
	s22 =	smul.u32 $0x9C4, s18  }
0x10: {  	s7 =	sshrl.u32 s7, $0x3;
	s11 =	ssub.s32 s11, s15;
	s19 =	sadd.s32 s10, s16  }
0x11: {  	s20 =	sadd.s32 $0xFA, s16;
	s17 =	sadd.s32 s7, s3;
	s3 =	sadd.s32 s14, s3  }
0x12: {  	s14 =	sadd.s32 s24, s1;
	s7 =	sshrl.u32 s23, $0x3;
	[dreg:$0x8] =	wrdreg s19  }
0x13: {  	s21 =	sadd.s32 s10, s20;
	s24 =	smax.u32 s11, $0x1;
	s25 =	sadd.s32 s22, s6  }
0x14: {  	s0 =	sadd.s32 s0, s7;
	s7 =	sor.u32 $0x1C07, s8;
	[dreg:$0xa] =	wrdreg s21  }
0x15: {  	s8 =	sadd.s32 s13, s2;
	s13 =	sadd.s32 s6, s20;
	[dreg:$0xe] =	wrdreg s24  }
0x16: {  	s23 =	sadd.s32 $0xB400, s17;
	s3 =	sadd.s32 $0xAE00, s3;
	[dreg:$0x7] =	wrdreg s0  }
0x17: {  	s26 =	sshrl.u32 s14, $0x3;
	s20 =	simm.s32 $0x1;
	[dreg:$0xb] =	wrdreg s13  }
0x18: {  	s14 =	simm.s32 $0x10;
	s24 =	simm.s32 $0x1B1C0;
	[dreg:$0xc] =	wrdreg s23  }
0x19: {  	s0 =	sadd.s32 s6, s16;
	[dreg:$0xd] =	wrdreg s3;
	s3 =	sadd.s32 $0xE6, s25  }
0x1a: {  	[dreg:$0x11] =	wrdreg s26;
	s13 =	simm.s32 $0x8;
	s23 =	simm.s32 $0x7  }
0x1b: {  	s25 =	simm.s32 $0x1DDC0;
	[dreg:$0x9] =	wrdreg s0;
	s0 =	sadd.s32 s22, s10  }
0x1c: {  	v0 =	vlaneseq.u32;
	s6 =	simm.s32 $0x0;
	[dreg:$0xf] =	wrdreg s3;
	s0 =	sadd.s32 $0xE6, s0  }
0x1d: {  	v1 =	vimm.f32 $0.0e+00;
	v3 =	vimm.f32 $1.000000000e+00;
	v2 =	vor.u32 $0x10, v0;
	s3 =	simm.s32 $0x4;
	[dreg:$0x10] =	wrdreg s0;
	s0 =	simm.s32 $0x3  }
.LBB2_1:
0x1e: {  	s10 =	rddreg [dreg:$0x7]  }
0x1f: {  	s11 =	rddreg [dreg:$0x11]  }
0x20: {  	[spmem:s11@s13], [sflag:s7] =	dma.strided [hbm:s10@s14], $0x1388, s20, $0x8   }
0x21: {  	_ =	swait.ge [sflag:s23], $0x1388  }
0x22: {  	[sflag:s23] =	ssyncset.done $0x0  }
0x23: {  	[sflag:s23] =	ssyncadd.s32 $0xFFFFEC78  }
0x24: {  	[tilespmem:$0x1B1C0] =	vst v1  }
0x25: {  	[tilespmem:$0x1B1D0] =	vst v1  }
0x26: {  	[tilespmem:$0x1B1E0] =	vst v1  }
0x27: {  	[tilespmem:$0x1B1F0] =	vst v1  }
0x28: {  	[tilespmem:$0x1B200] =	vst v1  }
0x29: {  	[tilespmem:$0x1B210] =	vst v1  }
0x2a: {  	[tilespmem:$0x1B220] =	vst v1  }
0x2b: {  	[tilespmem:$0x1B230] =	vst v1  }
0x2c: {  	[tilespmem:$0x1B240] =	vst v1  }
0x2d: {  	[tilespmem:$0x1B250] =	vst v1  }
0x2e: {  	[tilespmem:$0x1B260] =	vst v1  }
0x2f: {  	[tilespmem:$0x1B270] =	vst v1  }
0x30: {  	[tilespmem:$0x1B280] =	vst v1  }
0x31: {  	[tilespmem:$0x1B290] =	vst v1  }
0x32: {  	[tilespmem:$0x1B2A0] =	vst v1  }
0x33: {  	[tilespmem:$0x1B2B0] =	vst v1  }
0x34: {  	[tilespmem:$0x1B2C0] =	vst v1  }
0x35: {  	[tilespmem:$0x1B2D0] =	vst v1  }
0x36: {  	[tilespmem:$0x1B2E0] =	vst v1  }
0x37: {  	[tilespmem:$0x1B2F0] =	vst v1  }
0x38: {  	[tilespmem:$0x1B300] =	vst v1  }
0x39: {  	[tilespmem:$0x1B310] =	vst v1  }
0x3a: {  	[tilespmem:$0x1B320] =	vst v1  }
0x3b: {  	[tilespmem:$0x1B330] =	vst v1  }
0x3c: {  	[tilespmem:$0x1B340] =	vst v1  }
0x3d: {  	[tilespmem:$0x1B350] =	vst v1  }
0x3e: {  	[tilespmem:$0x1B360] =	vst v1  }
0x3f: {  	[tilespmem:$0x1B370] =	vst v1  }
0x40: {  	[tilespmem:$0x1B380] =	vst v1  }
0x41: {  	[tilespmem:$0x1B390] =	vst v1  }
0x42: {  	[tilespmem:$0x1B3A0] =	vst v1  }
0x43: {  	[tilespmem:$0x1B3B0] =	vst v1  }
0x44: {  	[tilespmem:$0x1B3C0] =	vst v1  }
0x45: {  	[tilespmem:$0x1B3D0] =	vst v1  }
0x46: {  	[tilespmem:$0x1B3E0] =	vst v1  }
0x47: {  	[tilespmem:$0x1B3F0] =	vst v1  }
0x48: {  	[tilespmem:$0x1B400] =	vst v1  }
0x49: {  	[tilespmem:$0x1B410] =	vst v1  }
0x4a: {  	[tilespmem:$0x1B420] =	vst v1  }
0x4b: {  	[tilespmem:$0x1B430] =	vst v1  }
0x4c: {  	[tilespmem:$0x1B440] =	vst v1  }
0x4d: {  	[tilespmem:$0x1B450] =	vst v1  }
0x4e: {  	[tilespmem:$0x1B460] =	vst v1  }
0x4f: {  	[tilespmem:$0x1B470] =	vst v1  }
0x50: {  	[tilespmem:$0x1B480] =	vst v1  }
0x51: {  	[tilespmem:$0x1B490] =	vst v1  }
0x52: {  	[tilespmem:$0x1B4A0] =	vst v1  }
0x53: {  	[tilespmem:$0x1B4B0] =	vst v1  }
0x54: {  	[tilespmem:$0x1B4C0] =	vst v1  }
0x55: {  	[tilespmem:$0x1B4D0] =	vst v1  }
0x56: {  	[tilespmem:$0x1B4E0] =	vst v1  }
0x57: {  	[tilespmem:$0x1B4F0] =	vst v1  }
0x58: {  	[tilespmem:$0x1B500] =	vst v1  }
0x59: {  	[tilespmem:$0x1B510] =	vst v1  }
0x5a: {  	[tilespmem:$0x1B520] =	vst v1  }
0x5b: {  	[tilespmem:$0x1B530] =	vst v1  }
0x5c: {  	[tilespmem:$0x1B540] =	vst v1  }
0x5d: {  	[tilespmem:$0x1B550] =	vst v1  }
0x5e: {  	[tilespmem:$0x1B560] =	vst v1  }
0x5f: {  	[tilespmem:$0x1B570] =	vst v1  }
0x60: {  	[tilespmem:$0x1B580] =	vst v1  }
0x61: {  	[tilespmem:$0x1B590] =	vst v1  }
0x62: {  	[tilespmem:$0x1B5A0] =	vst v1  }
0x63: {  	s12 =	simm.s32 $0x40;
	s13 =	simm.s32 $0x0;
	[tilespmem:$0x1B5B0] =	vst v1  }
.LBB2_2:
0x64: {  	p1 =	sne.s32 s12, $0x9FC0;
	[tilespmem:s13+$0x1B5C0] =	vst v1;
	s13 =	smov.u32 s12;
	s12 =	sadd.s32 $0x40, s12  }
.Ltmp0:
0x65: {  	(pc) =	sbr.rel @p1 .LBB2_2-.Ltmp0, $2  }
0x66: {  	_ =	sdelay $0x2  }
0x67: {  	s13 =	sshra.s32 s13, $0x2  }
0x68: {  	[tilespmem:s13+$0x1B5C0] =	vst v1  }
0x69: {  	[tilespmem:$0x1DDC0] =	vst v1  }
0x6a: {  	[tilespmem:$0x1DDD0] =	vst v1  }
0x6b: {  	[tilespmem:$0x1DDE0] =	vst v1  }
0x6c: {  	[tilespmem:$0x1DDF0] =	vst v1  }
0x6d: {  	[tilespmem:$0x1DE00] =	vst v1  }
0x6e: {  	[tilespmem:$0x1DE10] =	vst v1  }
0x6f: {  	[tilespmem:$0x1DE20] =	vst v1  }
0x70: {  	[tilespmem:$0x1DE30] =	vst v1  }
0x71: {  	[tilespmem:$0x1DE40] =	vst v1  }
0x72: {  	[tilespmem:$0x1DE50] =	vst v1  }
0x73: {  	[tilespmem:$0x1DE60] =	vst v1  }
0x74: {  	[tilespmem:$0x1DE70] =	vst v1  }
0x75: {  	[tilespmem:$0x1DE80] =	vst v1  }
0x76: {  	[tilespmem:$0x1DE90] =	vst v1  }
0x77: {  	[tilespmem:$0x1DEA0] =	vst v1  }
0x78: {  	[tilespmem:$0x1DEB0] =	vst v1  }
0x79: {  	[tilespmem:$0x1DEC0] =	vst v1  }
0x7a: {  	[tilespmem:$0x1DED0] =	vst v1  }
0x7b: {  	[tilespmem:$0x1DEE0] =	vst v1  }
0x7c: {  	[tilespmem:$0x1DEF0] =	vst v1  }
0x7d: {  	[tilespmem:$0x1DF00] =	vst v1  }
0x7e: {  	[tilespmem:$0x1DF10] =	vst v1  }
0x7f: {  	[tilespmem:$0x1DF20] =	vst v1  }
0x80: {  	[tilespmem:$0x1DF30] =	vst v1  }
0x81: {  	[tilespmem:$0x1DF40] =	vst v1  }
0x82: {  	[tilespmem:$0x1DF50] =	vst v1  }
0x83: {  	[tilespmem:$0x1DF60] =	vst v1  }
0x84: {  	[tilespmem:$0x1DF70] =	vst v1  }
0x85: {  	[tilespmem:$0x1DF80] =	vst v1  }
0x86: {  	[tilespmem:$0x1DF90] =	vst v1  }
0x87: {  	s26 =	simm.s32 $0x0;
	[tilespmem:$0x1DFA0] =	vst v1  }
0x88: {  	s12 =	simm.s32 $0x1DFD0;
	[tilespmem:$0x1DFB0] =	vst v1;
	v4 =	vor.u32 s26, v2  }
0x89: {  	v5 =	vor.u32 s26, v0;
	[tilespmem:s12+$0x0] =	vst v4  }
0x8a: {  	s13 =	simm.s32 $0x20;
	[tilespmem:s12+$0xFFFFFFF0] =	vst v5  }
.LBB2_4:
0x8b: {  	p1 =	sne.s32 s13, $0x260  }
.Ltmp1:
0x8c: {  	_ = 	snop;
	(pc) =	sbr.rel @p1 .LBB2_4-.Ltmp1, $4  }
0x8d: {  	_ = 	snop  }
0x8e: {  	v4 =	vor.u32 s13, v2;
	s12 =	sadd.s32 $0x20, s12;
	s14 =	smov.u32 s13;
	s13 =	sadd.s32 $0x20, s13  }
0x8f: {  	v5 =	vor.u32 s14, v0;
	[tilespmem:s12+$0x0] =	vst v4  }
0x90: {  	[tilespmem:s12+$0xFFFFFFF0] =	vst v5  }
0x91: {  	s12 =	sadd.s32 $0x0, s8  }
0x92: {  	[spmem:s12] =	stream.linear.scatter [tilespmem:s24], [sflag:$0x7], $0x400, $0x38;
	[tilespmem:$0x1E240] =	vst v63  }
0x93: {  	s12 =	simm.s32 $0x1000;
	_ =	swait.ge [sflag:s23], $0x400  }
.LBB2_6:
0x94: {  	s13 =	sshra.s32 s12, $0x2;
	[sflag:s23] =	ssyncset.done $0x0;
	p1 =	sne.s32 s12, $0x27000  }
.Ltmp2:
0x95: {  	s13 =	sadd.s32 s13, s8;
	[sflag:s23] =	ssyncadd.s32 $0xFFFFFC00;
	(pc) =	sbr.rel @p1 .LBB2_6-.Ltmp2, $3  }
0x96: {  	[spmem:s13] =	stream.linear.scatter [tilespmem:s24], [sflag:$0x7], $0x400, $0x38;
	[tilespmem:$0x1E240] =	vst v63  }
0x97: {  	s12 =	sadd.s32 $0x1000, s12;
	_ =	sdelay $0x1  }
0x98: {  	_ =	swait.ge [sflag:s23], $0x400  }
0x99: {  	[sflag:s23] =	ssyncset.done $0x0  }
0x9a: {  	[sflag:s23] =	ssyncadd.s32 $0xFFFFFC00  }
0x9b: {  	[spmem:s9] =	stream.linear.scatter [tilespmem:s25], [sflag:$0x7], $0x280, $0x38;
	[tilespmem:$0x1E240] =	vst v63  }
0x9c: {  	_ =	swait.ge [sflag:s23], $0x280  }
0x9d: {  	[sflag:s23] =	ssyncset.done $0x0  }
0x9e: {  	[sflag:s23] =	ssyncadd.s32 $0xFFFFFD80  }
0x9f: {  	[bflag:$0x0] =	sbarrier.arrive $0xFFFF  }
0xa0: {  	s13 =	simm.s32 $0x0;
	s11 =	simm.s32 $0x14280;
	s10 =	rddreg [dreg:$0x8]  }
0xa1: {  	[tilespmem:s11], [sflag:$0x7] =	stream.linear.gather [hbm4b:s10+s13], $0x7D0, $0x38;
	[tilespmem:$0x1E240] =	vst v63  }
0xa2: {  	_ =	swait.ge [sflag:s23], $0x7D0  }
0xa3: {  	[sflag:s23] =	ssyncset.done $0x0  }
0xa4: {  	s12 =	simm.s32 $0x15220;
	s15 =	rddreg [dreg:$0x9];
	[sflag:s23] =	ssyncadd.s32 $0xFFFFF830  }
0xa5: {  	[tilespmem:s12], [sflag:$0x7] =	stream.linear.gather [hbm4b:s15+s13], $0x7D0, $0x38;
	[tilespmem:$0x1E240] =	vst v63  }
0xa6: {  	_ =	swait.ge [sflag:s23], $0x7D0  }
0xa7: {  	[sflag:s23] =	ssyncset.done $0x0  }
0xa8: {  	s17 =	simm.s32 $0x14A50;
	s16 =	rddreg [dreg:$0xa];
	[sflag:s23] =	ssyncadd.s32 $0xFFFFF830  }
0xa9: {  	[tilespmem:s17], [sflag:$0x5] =	stream.linear.gather [hbm4b:s16+s13], $0x7D0, $0x38;
	[tilespmem:$0x1E240] =	vst v63  }
0xaa: {  	s19 =	simm.s32 $0x159F0;
	s18 =	rddreg [dreg:$0xb]  }
0xab: {  	[tilespmem:s19], [sflag:$0x6] =	stream.linear.gather [hbm4b:s18+s13], $0x7D0, $0x38;
	[tilespmem:$0x1E240] =	vst v63  }
.Ltmp3:
0xac: {  	_ = 	snop;
	(pc) =	sbr.rel .LBB2_8-.Ltmp3, $4  }
0xad: {  	s21 =	simm.s32 $0x161C0;
	s22 =	simm.s32 $0x142D0;
	s17 =	rddreg [dreg:$0xf]  }
0xae: {  	[tilespmem:s21], [sflag:$0x1] =	stream.indirect.gather [spmem:s1], $0x40, s11, s31, $0xb8;
	[tilespmem:$0x1E240] =	vst v63  }
0xaf: {  	s26 =	simm.s32 $0x175C0;
	s12 =	simm.s32 $0x0;
	s18 =	rddreg [dreg:$0x10]  }
0xb0: {  	[tilespmem:s26], [sflag:$0x2] =	stream.indirect.gather [spmem:s1], $0x40, s22, s31, $0xb8;
	[tilespmem:$0x1E240] =	vst v63  }
.LBB2_13:
0xb1: {  	s11 =	sxor.u32 $0xFFFFFFFF, s22  }
0xb2: {  	s11 =	sand.u32 $0x1, s11  }
0xb3: {  	s11 =	smul.u32 $0x7D0, s11;
	_ =	sdelay $0x1  }
0xb4: {  	s10 =	sadd.s32 $0xA, s18;
	s15 =	sadd.s32 $0x14280, s11  }
0xb5: {  	[tilespmem:s15], [sflag:$0x5] =	stream.linear.gather [hbm4b:s10+s5], $0x7D0, $0x38;
	[tilespmem:$0x1E240] =	vst v63  }
0xb6: {  	s11 =	sadd.s32 $0x15220, s11;
	s15 =	sadd.s32 $0xA, s17  }
0xb7: {  	[tilespmem:s11], [sflag:$0x6] =	stream.linear.gather [hbm4b:s15+s5], $0x7D0, $0x38;
	[tilespmem:$0x1E240] =	vst v63  }
.LBB2_15:
0xb8: {  	s10 =	sand.u32 $0xFF, s19  }
0xb9: {  	s11 =	sand.u32 $0x3, s21;
	s15 =	sand.u32 $0x1, s16;
	s10 =	smul.u32 $0x140, s10  }
0xba: {  	s11 =	smul.u32 $0x5000, s11;
	p1 =	seq.s32 s15, $0x1;
	s15 =	simm.s32 $0x7D0  }
0xbb: {  	s15 =	simm.s32 @!p1 $0x0;
	s10 =	sshrl.u32 s10, $0x2  }
0xbc: {  	s11 =	sshrl.u32 s11, $0x2;
	s10 =	sadd.s32 s10, s15  }
0xbd: {  	s11 =	sadd.s32 $0x161C0, s11;
	s10 =	sadd.s32 $0x14280, s10  }
0xbe: {  	[tilespmem:s11], [sflag:$0x2] =	stream.indirect.gather [spmem:s1], $0x40, s10, s31, $0xb8;
	[tilespmem:$0x1E240] =	vst v63  }
.LBB2_16:
0xbf: {  	s10 =	sand.u32 $0xFF, s26  }
0xc0: {  	s11 =	sand.u32 $0x3, s13;
	s26 =	sand.u32 $0x1, s22;
	s10 =	smul.u32 $0x140, s10  }
0xc1: {  	s13 =	simm.s32 $0x7D0;
	s11 =	smul.u32 $0x5000, s11;
	p1 =	seq.s32 s26, $0x1  }
0xc2: {  	s13 =	simm.s32 @!p1 $0x0;
	s10 =	sshrl.u32 s10, $0x2  }
0xc3: {  	s11 =	sshrl.u32 s11, $0x2;
	s10 =	sadd.s32 s10, s13  }
0xc4: {  	s11 =	sadd.s32 $0x161C0, s11;
	s13 =	sadd.s32 $0x15220, s10  }
0xc5: {  	[spmem:s2] =	stream.indirect.scatter.add.f32 [tilespmem:s11], [sflag:$0x4], $0x40, s13, s31, $0xb8;
	[tilespmem:$0x1E240] =	vst v63  }
0xc6: {  	v4 =	vld [tilespmem:s10+$0x15220];
	_ =	sdelay $0x7  }
0xc7: {  	[tilespmem:v4+s29+$0x0] =	vst.idx.add.f32.msk $0xffff, v3  }
0xc8: {  	v4 =	vld [tilespmem:s13+$0x10];
	_ =	sdelay $0x7  }
0xc9: {  	[tilespmem:v4+s29+$0x0] =	vst.idx.add.f32.msk $0xffff, v3  }
0xca: {  	v4 =	vld [tilespmem:s13+$0x20];
	_ =	sdelay $0x7  }
0xcb: {  	[tilespmem:v4+s29+$0x0] =	vst.idx.add.f32.msk $0xffff, v3  }
0xcc: {  	v4 =	vld [tilespmem:s13+$0x30];
	_ =	sdelay $0x7  }
0xcd: {  	[tilespmem:v4+s29+$0x0] =	vst.idx.add.f32.msk $0xffff, v3  }
0xce: {  	v4 =	vld [tilespmem:s13+$0x40];
	_ =	sdelay $0x1  }
0xcf: {  	s12 =	sadd.s32 $0x1, s12  }
0xd0: {  	p1 =	sne.s32 s12, $0x7D  }
.Ltmp4:
0xd1: {  	_ = 	snop;
	(pc) =	sbr.rel @!p1 .LBB2_17-.Ltmp4, $2  }
0xd2: {  	_ =	sdelay $0x2  }
0xd3: {  	s17 =	sadd.s32 $0x14, s17;
	s18 =	sadd.s32 $0x14, s18;
	s13 =	smov.u32 s14;
	[tilespmem:v4+s29+$0x0] =	vst.idx.add.f32.msk $0xffff, v3  }
.LBB2_8:
0xd4: {  	s14 =	sadd.s32 $0x2, s13  }
0xd5: {  	s15 =	sand.u32 $0xFF, s14  }
0xd6: {  	s15 =	smul.u32 $0x29, s15;
	_ =	sdelay $0x1  }
0xd7: {  	s16 =	sshrl.u32 s15, $0xA  }
0xd8: {  	s15 =	smul.u32 $0x19, s16  }
0xd9: {  	_ =	swait.ge [sflag:s20], $0x1400;
	p2 =	seq.s32 s13, $0x0;
	s10 =	smul.u32 $0x29, s13  }
0xda: {  	p1 =	seq.s32 s12, $0x7C;
	[sflag:s20] =	ssyncset.done $0x0;
	s22 =	ssub.s32 s14, s15  }
0xdb: {  	s19 =	simm.s32 @!p2 $0x3;
	s15 =	sshrl.u32 s10, $0xA;
	s21 =	sand.u32 @!p1 $0xFF, s22  }
0xdc: {  	[sflag:s20] =	ssyncadd.s32 $0xFFFFEC00;
	p3 =	sne.s32 @!p1 s21, $0x0;
	s21 =	sand.u32 $0x3F, s15  }
0xdd: {  	_ =	swait.ge @!p2 [sflag:s19], $0x1400;
	s11 =	smul.u32 $0x19, s21  }
0xde: {  	[sflag:s19] =	ssyncset.done @!p2 $0x0;
	s15 =	sadd.s32 $0xFFFFFFF3, s12  }
0xdf: {  	[sflag:s19] =	ssyncadd.s32 @!p2 $0xFFFFEC00;
	p4 =	sgt.u32 s15, $0x64;
	s19 =	ssub.s32 s13, s11  }
0xe0: {  	p3 =	por p3, p1;
	s11 =	sand.u32 @!p4 $0xFF, s19  }
0xe1: {  	s26 =	simm.s32 @!p3 $0x5;
	p5 =	sne.s32 @!p4 s11, $0x2  }
0xe2: {  	_ =	swait.ge @!p3 [sflag:s26], $0x7D0;
	p4 =	por p4, p5  }
.Ltmp5:
0xe3: {  	[sflag:s26] =	ssyncset.done @!p3 $0x0;
	(pc) =	sbr.rel @p4 .LBB2_10-.Ltmp5, $4  }
0xe4: {  	[sflag:s26] =	ssyncadd.s32 @!p3 $0xFFFFF830;
	s26 =	simm.s32 @!p3 $0x6  }
0xe5: {  	_ =	swait.ge @!p3 [sflag:s26], $0x7D0  }
0xe6: {  	[sflag:s26] =	ssyncset.done @!p3 $0x0  }
0xe7: {  	[sflag:s26] =	ssyncadd.s32 @!p3 $0xFFFFF830  }
0xe8: {  	s11 =	sxor.u32 $0xFFFFFFFF, s21  }
0xe9: {  	s11 =	sand.u32 $0x1, s11  }
0xea: {  	s11 =	smul.u32 $0x7D0, s11;
	_ =	sdelay $0x1  }
0xeb: {  	s26 =	sadd.s32 $0x14280, s11  }
0xec: {  	[tilespmem:s26], [sflag:$0x5] =	stream.linear.gather [hbm4b:s18+s5], $0x7D0, $0x38;
	[tilespmem:$0x1E240] =	vst v63  }
0xed: {  	s11 =	sadd.s32 $0x15220, s11  }
0xee: {  	[tilespmem:s11], [sflag:$0x6] =	stream.linear.gather [hbm4b:s17+s5], $0x7D0, $0x38;
	[tilespmem:$0x1E240] =	vst v63  }
.LBB2_11:
0xef: {  	s11 =	sand.u32 $0xFF, s22  }
0xf0: {  	s10 =	sand.u32 $0x2, s14;
	s16 =	sand.u32 $0x1, s16;
	s11 =	smul.u32 $0x140, s11  }
0xf1: {  	s22 =	smul.u32 $0x5000, s10;
	p3 =	seq.s32 s16, $0x1;
	s16 =	simm.s32 $0x7D0  }
0xf2: {  	s16 =	simm.s32 @!p3 $0x0;
	s11 =	sshrl.u32 s11, $0x2  }
0xf3: {  	s22 =	sshrl.u32 s22, $0x2;
	s11 =	sadd.s32 s11, s16  }
0xf4: {  	s26 =	sadd.s32 $0x161C0, s22;
	s11 =	sadd.s32 $0x14280, s11  }
0xf5: {  	[tilespmem:s26], [sflag:$0x1] =	stream.indirect.gather [spmem:s1], $0x40, s11, s31, $0xb8;
	[tilespmem:$0x1E240] =	vst v63  }
.LBB2_12:
0xf6: {  	s11 =	sand.u32 $0xFF, s19  }
0xf7: {  	s16 =	sand.u32 $0x2, s13;
	s22 =	sand.u32 $0x1, s21;
	s11 =	smul.u32 $0x140, s11  }
0xf8: {  	s19 =	simm.s32 $0x7D0;
	s16 =	smul.u32 $0x5000, s16;
	p3 =	seq.s32 s22, $0x1  }
0xf9: {  	s19 =	simm.s32 @!p3 $0x0;
	s11 =	sshrl.u32 s11, $0x2  }
0xfa: {  	s16 =	sshrl.u32 s16, $0x2;
	s11 =	sadd.s32 s11, s19  }
0xfb: {  	s16 =	sadd.s32 $0x161C0, s16;
	s19 =	sadd.s32 $0x15220, s11  }
0xfc: {  	[spmem:s2] =	stream.indirect.scatter.add.f32 [tilespmem:s16], [sflag:$0x3], $0x40, s19, s31, $0xb8;
	[tilespmem:$0x1E240] =	vst v63  }
0xfd: {  	v4 =	vld [tilespmem:s11+$0x15220];
	_ =	sdelay $0x7  }
0xfe: {  	[tilespmem:v4+s29+$0x0] =	vst.idx.add.f32.msk $0xffff, v3  }
0xff: {  	v4 =	vld [tilespmem:s19+$0x10];
	_ =	sdelay $0x7  }
0x100: {  	[tilespmem:v4+s29+$0x0] =	vst.idx.add.f32.msk $0xffff, v3  }
0x101: {  	v4 =	vld [tilespmem:s19+$0x20];
	_ =	sdelay $0x7  }
0x102: {  	[tilespmem:v4+s29+$0x0] =	vst.idx.add.f32.msk $0xffff, v3  }
0x103: {  	v4 =	vld [tilespmem:s19+$0x30];
	_ =	sdelay $0x7  }
0x104: {  	[tilespmem:v4+s29+$0x0] =	vst.idx.add.f32.msk $0xffff, v3  }
0x105: {  	v4 =	vld [tilespmem:s19+$0x40];
	_ =	sdelay $0x1  }
0x106: {  	s21 =	sadd.s32 $0x3, s13  }
0x107: {  	s26 =	sand.u32 $0xFF, s21  }
0x108: {  	s11 =	smul.u32 $0x29, s26;
	_ =	sdelay $0x1  }
0x109: {  	s16 =	sshrl.u32 s11, $0xA  }
0x10a: {  	s13 =	sadd.s32 $0x1, s13;
	s11 =	smul.u32 $0x19, s16  }
0x10b: {  	s10 =	smul.u32 $0x29, s13;
	[tilespmem:v4+s29+$0x0] =	vst.idx.add.f32.msk $0xffff, v3  }
0x10c: {  	s26 =	simm.s32 @!p2 $0x4;
	s19 =	ssub.s32 s21, s11;
	_ =	swait.ge [sflag:s30], $0x1400  }
0x10d: {  	s11 =	sshrl.u32 s10, $0xA;
	s22 =	sand.u32 @!p1 $0xFF, s19;
	[sflag:s30] =	ssyncset.done $0x0  }
0x10e: {  	p3 =	sne.s32 @!p1 s22, $0x0;
	s22 =	sand.u32 $0x3F, s11;
	[sflag:s30] =	ssyncadd.s32 $0xFFFFEC00  }
0x10f: {  	s10 =	smul.u32 $0x19, s22;
	_ =	swait.ge @!p2 [sflag:s26], $0x1400  }
0x110: {  	[sflag:s26] =	ssyncset.done @!p2 $0x0  }
0x111: {  	[sflag:s26] =	ssyncadd.s32 @!p2 $0xFFFFEC00;
	s26 =	ssub.s32 s13, s10;
	p2 =	sgt.u32 s15, $0x63  }
0x112: {  	p3 =	por p3, p1;
	s15 =	sand.u32 @!p2 $0xFF, s26  }
0x113: {  	s11 =	simm.s32 @!p3 $0x5;
	p4 =	sne.s32 @!p2 s15, $0x2  }
0x114: {  	_ =	swait.ge @!p3 [sflag:s11], $0x7D0;
	p2 =	por p2, p4  }
.Ltmp6:
0x115: {  	[sflag:s11] =	ssyncset.done @!p3 $0x0;
	(pc) =	sbr.rel @!p2 .LBB2_13-.Ltmp6, $4  }
0x116: {  	[sflag:s11] =	ssyncadd.s32 @!p3 $0xFFFFF830;
	s11 =	simm.s32 @!p3 $0x6  }
0x117: {  	_ =	swait.ge @!p3 [sflag:s11], $0x7D0  }
0x118: {  	[sflag:s11] =	ssyncset.done @!p3 $0x0  }
0x119: {  	[sflag:s11] =	ssyncadd.s32 @!p3 $0xFFFFF830  }
.Ltmp7:
0x11a: {  	(pc) =	sbr.rel @p1 .LBB2_16-.Ltmp7, $4  }
.Ltmp8:
0x11b: {  	(pc) =	sbr.rel @!p1 .LBB2_15-.Ltmp8, $4  }
0x11c: {  	_ = 	snop  }
0x11d: {  	_ = 	snop  }
0x11e: {  	_ = 	snop  }
0x11f: {  	_ = 	snop  }
.LBB2_10:
.Ltmp9:
0x120: {  	(pc) =	sbr.rel @p1 .LBB2_12-.Ltmp9, $4  }
.Ltmp10:
0x121: {  	(pc) =	sbr.rel @!p1 .LBB2_11-.Ltmp10, $4  }
0x122: {  	_ = 	snop  }
0x123: {  	_ = 	snop  }
0x124: {  	_ = 	snop  }
0x125: {  	_ = 	snop  }
.LBB2_17:
0x126: {  	_ =	swait.ge [sflag:s0], $0x1400  }
0x127: {  	[sflag:s0] =	ssyncset.done $0x0  }
0x128: {  	[sflag:s0] =	ssyncadd.s32 $0xFFFFEC00  }
0x129: {  	_ =	swait.ge [sflag:s3], $0x1400  }
0x12a: {  	[sflag:s3] =	ssyncset.done $0x0  }
0x12b: {  	s12 =	simm.s32 $0x0;
	s13 =	simm.s32 $0x1B5C0;
	[sflag:s3] =	ssyncadd.s32 $0xFFFFEC00  }
.LBB2_18:
0x12c: {  	v4 =	vmov s13;
	_ =	sdelay $0x3  }
0x12d: {  	s14 =	simm.s32 $0x0;
	s15 =	simm.s32 $0x40  }
.LBB2_19:
0x12e: {  	p1 =	sne.s32 s15, $0x7C0;
	v5 =	vld.idx.msk [tilespmem:v4+s14+$0x0 ss:$0x1], $0xffff;
	_ =	sdelay $0x1  }
.Ltmp11:
0x12f: {  	(pc) =	sbr.rel @p1 .LBB2_19-.Ltmp11, $2  }
0x130: {  	_ =	sdelay $0x2  }
0x131: {  	[tilespmem:s14+$0x1DDC0] =	vst v5;
	s14 =	sshra.s32 s15, $0x2;
	s15 =	sadd.s32 $0x40, s15  }
0x132: {  	_ =	sdelay $0x3  }
0x133: {  	v4 =	vld.idx.msk [tilespmem:v4+s14+$0x0 ss:$0x1], $0xffff;
	_ =	sdelay $0x2  }
0x134: {  	s10 =	sshll.u32 s12, $0x5;
	s12 =	sadd.s32 $0x1, s12  }
0x135: {  	s10 =	sand.u32 $0x3FFFFFE0, s10;
	p1 =	sne.s32 s12, $0x14  }
.Ltmp12:
0x136: {  	s10 =	sadd.s32 $0x1DFC0, s10;
	[tilespmem:s14+$0x1DDC0] =	vst v4;
	(pc) =	sbr.rel @p1 .LBB2_18-.Ltmp12, $4  }
0x137: {  	[spmem:s4] =	stream.indirect.scatter.add.f32 [tilespmem:s25], [sflag:$0x7], $0x10, s10, s28, $0xb8;
	[tilespmem:$0x1E240] =	vst v63  }
0x138: {  	_ =	swait.ge [sflag:s23], $0x200  }
0x139: {  	[sflag:s23] =	ssyncset.done $0x0  }
0x13a: {  	s13 =	sadd.s32 $0x200, s13;
	[sflag:s23] =	ssyncadd.s32 $0xFFFFFE00  }
0x13b: {  	[bflag:$0x0] =	sbarrier.arrive $0xFFFF;
	s10 =	sshrl.u32 s8, $0x3  }
0x13c: {  	s13 =	simm.s32 $0x8;
	s14 =	simm.s32 $0x10;
	s11 =	rddreg [dreg:$0xc]  }
0x13d: {  	[hbm:s11@s14], [sflag:s7] =	dma.strided [spmem:s10@s13], $0x1400, s20, $0x8   }
0x13e: {  	_ =	swait.ge [sflag:s23], $0x1400  }
0x13f: {  	[sflag:s23] =	ssyncset.done $0x0  }
0x140: {  	s10 =	sshrl.u32 @!p0 s9, $0x3;
	s11 =	rddreg [dreg:$0xd];
	[sflag:s23] =	ssyncadd.s32 $0xFFFFEC00  }
0x141: {  	[hbm:s11], [sflag:s7] =	dma.local @!p0 [spmem:s10], $0x50  }
0x142: {  	s10 =	simm.s32 @!p0 $0x7  }
0x143: {  	_ =	swait.ge @!p0 [sflag:s10], $0x50  }
0x144: {  	s6 =	sadd.s32 $0x1, s6;
	s26 =	rddreg [dreg:$0xe]  }
0x145: {  	p1 =	sne.s32 s6, s26  }
.Ltmp13:
0x146: {  	_ = 	snop;
	(pc) =	sbr.rel @p1 .LBB2_1-.Ltmp13, $3  }
0x147: {  	_ =	sdelay $0x1  }
0x148: {  	[sflag:s10] =	ssyncset.done @!p0 $0x0  }
0x149: {  	[sflag:s10] =	ssyncadd.s32 @!p0 $0xFFFFFFB0  }
0x14a: {  	_ =	sfence.sel $0x180000  }
0x14b: {  	[bflag:$0x0] =	sbarrier.arrive $0xFFFF  }
0x14c: {  	_ =	strace $0x90000047  }
0x14d: {  	s0 =	stileid.u32;
	[bflag:$0x2] =	sbarrier.arrive $0xFFFF  }
0x14e: {  	p0 =	sne.s32 s0, $0x0;
	s0 =	rddreg [dreg:$0x6]  }
0x14f: {  	s0 =	sadd.s32 @!p0 $0x100000, s0  }
0x150: {  	[sflag:s0] =	ssyncadd.tile.s32 @!p0 $0x1;
	_ =	shalt  }
.Lfunc_end2:
_tile_overlayer_lowered:
.L_overlay_start_2:
0x151: {  	(tag) =	ssettag $0x2  }
0x152: {  	s0 =	rddreg [dreg:$0x0];
	s2 =	stileid.u32  }
0x153: {  	s1 =	rddreg [dreg:$0x1];
	p0 =	sne.s32 s2, $0x0  }
0x154: {  	s3 =	rddreg [dreg:$0x2];
	[bflag:$0x3] =	sbarrier.arrive $0xFFFF;
	s2 =	simm.s32 @!p0 $0x1C07  }
0x155: {  	[timem:s3], [sflag:s2] =	dma.local @!p0 [hbm:s0], s1  }
0x156: {  	s0 =	simm.s32 @!p0 $0x7  }
0x157: {  	_ =	swait.ge @!p0 [sflag:s0], s1  }
0x158: {  	s1 =	ssub.s32 @!p0 $0x0, s1;
	[sflag:s0] =	ssyncset.done @!p0 $0x0  }
0x159: {  	[sflag:s0] =	ssyncadd.s32 @!p0 s1  }
0x15a: {  	[bflag:$0x3] =	sbarrier.arrive $0xFFFF  }
0x15b: {  	_ =	shalt  }

</sc_bundles>
